<compile_context>
chip_gen: v7x
topology: tpu7x:2x2x1
jax: 0.10.2.dev20260603
libtpu: 0.0.44.dev20260713+nightly
codegen_flags: <defaults>
</compile_context>

<pallas_src>
import jax
import jax.numpy as jnp
from jax import lax
from jax.experimental import pallas as pl
from jax.experimental.pallas import tpu as pltpu, tpu_sc as plsc

_C = 19
_NB = 15
_B = 8
_H = 512
_W = 512
_L = 16
_RB = 8
_CB = 128
_P = _RB * _CB
_BANDS = _H // _RB
_COLG = _W // _CB
_CHUNKS_PER_IMG = _BANDS * _COLG
_NWORKERS = 32
_NCHUNKS = _B * _CHUNKS_PER_IMG
_CHUNKS_PER_WORKER = _NCHUNKS // _NWORKERS
_NPAIRS = _CHUNKS_PER_WORKER // 2


def _compute(in_b, out_b, table_v):
    def pix_body(j, carry):
        r = jnp.right_shift(j, 3)
        base = jnp.bitwise_and(j, 7) * _L
        es = [jnp.exp(in_b[c, r, pl.ds(base, _L)]) for c in range(_C)]
        s = es[0]
        for c in range(1, _C):
            s = s + es[c]
        scale = jnp.float32(_NB) / s
        cal = []
        tot = None
        for c in range(_C):
            bin_ = (es[c] * scale).astype(jnp.int32)
            idx = bin_ + jnp.int32(c * _L)
            g = plsc.load_gather(table_v, [idx])
            cal.append(g)
            tot = g if tot is None else tot + g
        tot = jnp.maximum(tot, jnp.float32(1e-35))
        inv = jnp.float32(1.0) / tot
        for c in range(_C):
            out_b[c, r, pl.ds(base, _L)] = cal[c] * inv
        return carry

    lax.fori_loop(0, _P // _L, pix_body, 0)


def _sc_body(logits_hbm, vf_hbm, out_hbm, table_v,
             in_v0, in_v1, out_v0, out_v1,
             in_sem0, in_sem1, out_sem0, out_sem1):
    nc = 2
    wid = lax.axis_index("s") * nc + lax.axis_index("c")
    pltpu.sync_copy(vf_hbm, table_v)

    def chunk_id(k):
        return k * _NWORKERS + wid

    def coords(chunk):
        b = chunk // _CHUNKS_PER_IMG
        rem = chunk % _CHUNKS_PER_IMG
        row = (rem // _COLG) * _RB
        col = (rem % _COLG) * _CB
        return b, row, col

    def fire_in(chunk, buf, sem):
        b, row, col = coords(chunk)
        pltpu.async_copy(
            logits_hbm.at[pl.ds(b * _C, _C), pl.ds(row, _RB), pl.ds(col, _CB)],
            buf, sem)

    def drain_in(buf, sem):
        pltpu.make_async_copy(
            logits_hbm.at[pl.ds(0, _C), pl.ds(0, _RB), pl.ds(0, _CB)],
            buf, sem).wait()

    def fire_out(chunk, buf, sem):
        b, row, col = coords(chunk)
        pltpu.async_copy(
            buf,
            out_hbm.at[pl.ds(b * _C, _C), pl.ds(row, _RB), pl.ds(col, _CB)],
            sem)

    def drain_out(buf, sem):
        pltpu.make_async_copy(
            buf,
            out_hbm.at[pl.ds(0, _C), pl.ds(0, _RB), pl.ds(0, _CB)], sem).wait()

    fire_in(chunk_id(0), in_v0, in_sem0)

    def pair(i, carry):
        k0 = 2 * i
        k1 = 2 * i + 1
        fire_in(chunk_id(k1), in_v1, in_sem1)
        drain_in(in_v0, in_sem0)

        @pl.when(i > 0)
        def _():
            drain_out(out_v0, out_sem0)

        _compute(in_v0, out_v0, table_v)
        fire_out(chunk_id(k0), out_v0, out_sem0)

        @pl.when(i < _NPAIRS - 1)
        def _():
            fire_in(chunk_id(k1 + 1), in_v0, in_sem0)

        drain_in(in_v1, in_sem1)

        @pl.when(i > 0)
        def _():
            drain_out(out_v1, out_sem1)

        _compute(in_v1, out_v1, table_v)
        fire_out(chunk_id(k1), out_v1, out_sem1)
        return carry

    lax.fori_loop(0, _NPAIRS, pair, 0)
    drain_out(out_v0, out_sem0)
    drain_out(out_v1, out_sem1)


def kernel(logits, val_freqs):
    lg = logits.reshape(_B * _C, _H, _W)
    vf = jnp.concatenate([val_freqs, val_freqs[:, _NB - 1:]], 1).reshape(-1)
    mesh = plsc.VectorSubcoreMesh(core_axis_name="c", subcore_axis_name="s")
    out = pl.kernel(
        _sc_body,
        out_type=jax.ShapeDtypeStruct((_B * _C, _H, _W), jnp.float32),
        mesh=mesh,
        scratch_types=[
            pltpu.VMEM((_C * _L,), jnp.float32),
            pltpu.VMEM((_C, _RB, _CB), jnp.float32),
            pltpu.VMEM((_C, _RB, _CB), jnp.float32),
            pltpu.VMEM((_C, _RB, _CB), jnp.float32),
            pltpu.VMEM((_C, _RB, _CB), jnp.float32),
            pltpu.SemaphoreType.DMA,
            pltpu.SemaphoreType.DMA,
            pltpu.SemaphoreType.DMA,
            pltpu.SemaphoreType.DMA,
        ],
        compiler_params=pltpu.CompilerParams(needs_layout_passes=False),
    )(lg, vf)
    return out.reshape(_B, _C, _H, _W)

# --- scband reference (transcript-rebuilt; emitter-appended) ---
"""Pipeline reference for scband-histogram-binning-45286135169514 (READ-ONLY COPY).

The authoritative reference and input builder live on the scoring server;
editing this copy changes nothing except your own understanding.
"""

import jax, jax.numpy as jnp
import numpy as np

NUM_BINS = 15
NUM_CLASSES = 19


def setup_inputs(seed: int = 0) -> dict:
    key = jax.random.key(seed)
    k1, k2 = jax.random.split(key)
    logits = jax.random.normal(k1, (8, NUM_CLASSES, 512, 512), dtype=jnp.float32)
    # calibrated bin frequencies (loaded from stats_file pickle in the original module)
    val_freqs = jax.random.uniform(k2, (NUM_CLASSES, NUM_BINS), dtype=jnp.float32)
    return {"logits": logits, "val_freqs": val_freqs}


def reference(logits, val_freqs):
    C = val_freqs.shape[0]
    num_bins = val_freqs.shape[1]
    # softmax over class dim
    prob = jax.nn.softmax(logits, axis=1)
    # get_bins(num_bins, 0.0, 1.0): equal-width bins; bin ownership per pixel
    # idx = floor(p * num_bins), clipped so p == 1.0 lands in the last bin
    bin_idx = jnp.clip(jnp.floor(prob * num_bins).astype(jnp.int32), 0, num_bins - 1)
    # per-class gather: calibrated[b, c, h, w] = val_freqs[c, bin_idx[b, c, h, w]]
    class_idx = jnp.arange(C).reshape(1, C, 1, 1)
    calibrated = val_freqs[class_idx, bin_idx]
    # normalize=True branch
    s = jnp.sum(calibrated, axis=1, keepdims=True)
    s = jnp.where(s == 0, jnp.float32(1.0), s)
    return calibrated / s

if __name__ == "__main__":
    import jax
    _d = setup_inputs()
    print(jax.jit(kernel)(*tuple(_d.values())))

</pallas_src>

<mosaic_0001>
#map = affine_map<(d0, d1) -> (0, 0, 0)>
#map1 = affine_map<(d0, d1) -> (0)>
module attributes {stable_mosaic.version = 14 : i64} {
  func.func @_sc_body(%arg0: i32, %arg1: i32, %arg2: memref<152x512x512xf32, #tpu.memory_space<hbm>>, %arg3: memref<304xf32, #tpu.memory_space<hbm>>, %arg4: memref<152x512x512xf32, #tpu.memory_space<hbm>>, %arg5: memref<304xf32, #tpu.memory_space<vmem>>, %arg6: memref<19x8x128xf32, #tpu.memory_space<vmem>>, %arg7: memref<19x8x128xf32, #tpu.memory_space<vmem>>, %arg8: memref<19x8x128xf32, #tpu.memory_space<vmem>>, %arg9: memref<19x8x128xf32, #tpu.memory_space<vmem>>, %arg10: memref<!tpu.dma_semaphore, #tpu.memory_space<semaphore_mem>>, %arg11: memref<!tpu.dma_semaphore, #tpu.memory_space<semaphore_mem>>, %arg12: memref<!tpu.dma_semaphore, #tpu.memory_space<semaphore_mem>>, %arg13: memref<!tpu.dma_semaphore, #tpu.memory_space<semaphore_mem>>) attributes {dimension_semantics = [#tpu.dimension_semantics<core_parallel>, #tpu.dimension_semantics<subcore_parallel>], iteration_bounds = array<i64: 2, 16>, scalar_prefetch = 0 : i64, scratch_operands = 9 : i64, tpu.core_type = #tpu.core_type<sc_vector_subcore>, window_params = [{transform_indices = #map}, {transform_indices = #map1}, {transform_indices = #map}]} {
    %mul3A = arith.constant 2 : i32
    %mul3A_0 = arith.muli %arg1, %mul3A : i32
    %add3A = arith.addi %mul3A_0, %arg0 : i32
    "tpu.region"() ({
      %run_scoped3A = tpu.sem_alloc : memref<!tpu.dma_semaphore, #tpu.memory_space<semaphore_mem>>
      tpu.enqueue_dma source(%arg3 : memref<304xf32, #tpu.memory_space<hbm>>) target(%arg5 : memref<304xf32, #tpu.memory_space<vmem>>) target_semaphore(%run_scoped3A : memref<!tpu.dma_semaphore, #tpu.memory_space<semaphore_mem>>)
      tpu.wait_dma2 semaphore(%run_scoped3A : memref<!tpu.dma_semaphore, #tpu.memory_space<semaphore_mem>>) src(%arg3 : memref<304xf32, #tpu.memory_space<hbm>>) dst(%arg5 : memref<304xf32, #tpu.memory_space<vmem>>)
      tpu.yield
    }) : () -> ()
    %add3A_1 = arith.constant 0 : i32
    %add3A_2 = arith.addi %add3A_1, %add3A : i32
    %jit3A = arith.constant 256 : i32
    %div3A = arith.divsi %add3A_2, %jit3A : i32
    %sign3A = arith.constant 0 : i32
    %sign3A_3 = arith.cmpi sgt, %add3A_2, %sign3A : i32
    %sign3A_4 = arith.extui %sign3A_3 : i1 to i32
    %sign3A_5 = arith.constant 0 : i32
    %sign3A_6 = arith.cmpi slt, %add3A_2, %sign3A_5 : i32
    %sign3A_7 = arith.extui %sign3A_6 : i1 to i32
    %sign3A_8 = arith.subi %sign3A_4, %sign3A_7 : i32
    %sign3A_9 = arith.constant 0 : i32
    %sign3A_10 = arith.cmpi sgt, %jit3A, %sign3A_9 : i32
    %sign3A_11 = arith.extui %sign3A_10 : i1 to i32
    %sign3A_12 = arith.constant 0 : i32
    %sign3A_13 = arith.cmpi slt, %jit3A, %sign3A_12 : i32
    %sign3A_14 = arith.extui %sign3A_13 : i1 to i32
    %sign3A_15 = arith.subi %sign3A_11, %sign3A_14 : i32
    %ne3A = arith.cmpi ne, %sign3A_8, %sign3A_15 : i32
    %rem3A = arith.remsi %add3A_2, %jit3A : i32
    %ne3A_16 = arith.constant 0 : i32
    %ne3A_17 = arith.cmpi ne, %rem3A, %ne3A_16 : i32
    %and3A = arith.andi %ne3A, %ne3A_17 : i1
    %sub3A = arith.constant 1 : i32
    %sub3A_18 = arith.subi %div3A, %sub3A : i32
    %select_n3A = arith.select %and3A, %sub3A_18, %div3A : i32
    %jit3A_19 = arith.constant 256 : i32
    %eq3A = arith.constant 0 : i32
    %eq3A_20 = arith.cmpi eq, %jit3A_19, %eq3A : i32
    %jit3A_21 = arith.constant 1 : i32
    %select_n3A_22 = arith.select %eq3A_20, %jit3A_21, %jit3A_19 : i32
    %rem3A_23 = arith.remsi %add3A_2, %select_n3A_22 : i32
    %ne3A_24 = arith.constant 0 : i32
    %ne3A_25 = arith.cmpi ne, %rem3A_23, %ne3A_24 : i32
    %lt3A = arith.constant 0 : i32
    %lt3A_26 = arith.cmpi slt, %rem3A_23, %lt3A : i32
    %lt3A_27 = arith.constant 0 : i32
    %lt3A_28 = arith.cmpi slt, %select_n3A_22, %lt3A_27 : i32
    %ne3A_29 = arith.xori %lt3A_26, %lt3A_28 : i1
    %and3A_30 = arith.andi %ne3A_29, %ne3A_25 : i1
    %add3A_31 = arith.addi %rem3A_23, %select_n3A_22 : i32
    %select_n3A_32 = arith.select %and3A_30, %add3A_31, %rem3A_23 : i32
    %jit3A_33 = arith.constant 4 : i32
    %div3A_34 = arith.divsi %select_n3A_32, %jit3A_33 : i32
    %sign3A_35 = arith.constant 0 : i32
    %sign3A_36 = arith.cmpi sgt, %select_n3A_32, %sign3A_35 : i32
    %sign3A_37 = arith.extui %sign3A_36 : i1 to i32
    %sign3A_38 = arith.constant 0 : i32
    %sign3A_39 = arith.cmpi slt, %select_n3A_32, %sign3A_38 : i32
    %sign3A_40 = arith.extui %sign3A_39 : i1 to i32
    %sign3A_41 = arith.subi %sign3A_37, %sign3A_40 : i32
    %sign3A_42 = arith.constant 0 : i32
    %sign3A_43 = arith.cmpi sgt, %jit3A_33, %sign3A_42 : i32
    %sign3A_44 = arith.extui %sign3A_43 : i1 to i32
    %sign3A_45 = arith.constant 0 : i32
    %sign3A_46 = arith.cmpi slt, %jit3A_33, %sign3A_45 : i32
    %sign3A_47 = arith.extui %sign3A_46 : i1 to i32
    %sign3A_48 = arith.subi %sign3A_44, %sign3A_47 : i32
    %ne3A_49 = arith.cmpi ne, %sign3A_41, %sign3A_48 : i32
    %rem3A_50 = arith.remsi %select_n3A_32, %jit3A_33 : i32
    %ne3A_51 = arith.constant 0 : i32
    %ne3A_52 = arith.cmpi ne, %rem3A_50, %ne3A_51 : i32
    %and3A_53 = arith.andi %ne3A_49, %ne3A_52 : i1
    %sub3A_54 = arith.constant 1 : i32
    %sub3A_55 = arith.subi %div3A_34, %sub3A_54 : i32
    %select_n3A_56 = arith.select %and3A_53, %sub3A_55, %div3A_34 : i32
    %mul3A_57 = arith.constant 8 : i32
    %mul3A_58 = arith.muli %select_n3A_56, %mul3A_57 : i32
    %jit3A_59 = arith.constant 4 : i32
    %eq3A_60 = arith.constant 0 : i32
    %eq3A_61 = arith.cmpi eq, %jit3A_59, %eq3A_60 : i32
    %jit3A_62 = arith.constant 1 : i32
    %select_n3A_63 = arith.select %eq3A_61, %jit3A_62, %jit3A_59 : i32
    %rem3A_64 = arith.remsi %select_n3A_32, %select_n3A_63 : i32
    %ne3A_65 = arith.constant 0 : i32
    %ne3A_66 = arith.cmpi ne, %rem3A_64, %ne3A_65 : i32
    %lt3A_67 = arith.constant 0 : i32
    %lt3A_68 = arith.cmpi slt, %rem3A_64, %lt3A_67 : i32
    %lt3A_69 = arith.constant 0 : i32
    %lt3A_70 = arith.cmpi slt, %select_n3A_63, %lt3A_69 : i32
    %ne3A_71 = arith.xori %lt3A_68, %lt3A_70 : i1
    %and3A_72 = arith.andi %ne3A_71, %ne3A_66 : i1
    %add3A_73 = arith.addi %rem3A_64, %select_n3A_63 : i32
    %select_n3A_74 = arith.select %and3A_72, %add3A_73, %rem3A_64 : i32
    %mul3A_75 = arith.constant 128 : i32
    %mul3A_76 = arith.muli %select_n3A_74, %mul3A_75 : i32
    %mul3A_77 = arith.constant 19 : i32
    %mul3A_78 = arith.muli %select_n3A, %mul3A_77 : i32
    %dma_start3A = tpu.memref_slice %arg2[%mul3A_78, %mul3A_58, %mul3A_76] : memref<152x512x512xf32, #tpu.memory_space<hbm>> -> memref<19x8x128xf32, #tpu.memory_space<hbm>>
    %dma_start3A_79 = tpu.memref_slice %arg2[%mul3A_78, %mul3A_58, %mul3A_76] : memref<152x512x512xf32, #tpu.memory_space<hbm>> -> memref<19x8x128xf32, #tpu.memory_space<hbm>>
    tpu.enqueue_dma source(%dma_start3A_79 : memref<19x8x128xf32, #tpu.memory_space<hbm>>) target(%arg6 : memref<19x8x128xf32, #tpu.memory_space<vmem>>) target_semaphore(%arg10 : memref<!tpu.dma_semaphore, #tpu.memory_space<semaphore_mem>>)
    %scan3A = arith.constant 0 : i32
    %scan3A_80 = arith.constant 0 : i32
    %scan3A_81 = arith.constant 32 : i32
    %scan3A_82 = arith.addi %scan3A_80, %scan3A_81 : i32
    %scan3A_83 = arith.constant 1 : i32
    scf.for %scan3A_100 = %scan3A_80 to %scan3A_82 step %scan3A_83  : i32 {
      %mul3A_101 = arith.constant 2 : i32
      %mul3A_102 = arith.muli %mul3A_101, %scan3A_100 : i32
      %mul3A_103 = arith.constant 2 : i32
      %mul3A_104 = arith.muli %mul3A_103, %scan3A_100 : i32
      %add3A_105 = arith.constant 1 : i32
      %add3A_106 = arith.addi %mul3A_104, %add3A_105 : i32
      %mul3A_107 = arith.constant 32 : i32
      %mul3A_108 = arith.muli %add3A_106, %mul3A_107 : i32
      %add3A_109 = arith.addi %mul3A_108, %add3A : i32
      %jit3A_110 = arith.constant 256 : i32
      %div3A_111 = arith.divsi %add3A_109, %jit3A_110 : i32
      %sign3A_112 = arith.constant 0 : i32
      %sign3A_113 = arith.cmpi sgt, %add3A_109, %sign3A_112 : i32
      %sign3A_114 = arith.extui %sign3A_113 : i1 to i32
      %sign3A_115 = arith.constant 0 : i32
      %sign3A_116 = arith.cmpi slt, %add3A_109, %sign3A_115 : i32
      %sign3A_117 = arith.extui %sign3A_116 : i1 to i32
      %sign3A_118 = arith.subi %sign3A_114, %sign3A_117 : i32
      %sign3A_119 = arith.constant 0 : i32
      %sign3A_120 = arith.cmpi sgt, %jit3A_110, %sign3A_119 : i32
      %sign3A_121 = arith.extui %sign3A_120 : i1 to i32
      %sign3A_122 = arith.constant 0 : i32
      %sign3A_123 = arith.cmpi slt, %jit3A_110, %sign3A_122 : i32
      %sign3A_124 = arith.extui %sign3A_123 : i1 to i32
      %sign3A_125 = arith.subi %sign3A_121, %sign3A_124 : i32
      %ne3A_126 = arith.cmpi ne, %sign3A_118, %sign3A_125 : i32
      %rem3A_127 = arith.remsi %add3A_109, %jit3A_110 : i32
      %ne3A_128 = arith.constant 0 : i32
      %ne3A_129 = arith.cmpi ne, %rem3A_127, %ne3A_128 : i32
      %and3A_130 = arith.andi %ne3A_126, %ne3A_129 : i1
      %sub3A_131 = arith.constant 1 : i32
      %sub3A_132 = arith.subi %div3A_111, %sub3A_131 : i32
      %select_n3A_133 = arith.select %and3A_130, %sub3A_132, %div3A_111 : i32
      %jit3A_134 = arith.constant 256 : i32
      %eq3A_135 = arith.constant 0 : i32
      %eq3A_136 = arith.cmpi eq, %jit3A_134, %eq3A_135 : i32
      %jit3A_137 = arith.constant 1 : i32
      %select_n3A_138 = arith.select %eq3A_136, %jit3A_137, %jit3A_134 : i32
      %rem3A_139 = arith.remsi %add3A_109, %select_n3A_138 : i32
      %ne3A_140 = arith.constant 0 : i32
      %ne3A_141 = arith.cmpi ne, %rem3A_139, %ne3A_140 : i32
      %lt3A_142 = arith.constant 0 : i32
      %lt3A_143 = arith.cmpi slt, %rem3A_139, %lt3A_142 : i32
      %lt3A_144 = arith.constant 0 : i32
      %lt3A_145 = arith.cmpi slt, %select_n3A_138, %lt3A_144 : i32
      %ne3A_146 = arith.xori %lt3A_143, %lt3A_145 : i1
      %and3A_147 = arith.andi %ne3A_146, %ne3A_141 : i1
      %add3A_148 = arith.addi %rem3A_139, %select_n3A_138 : i32
      %select_n3A_149 = arith.select %and3A_147, %add3A_148, %rem3A_139 : i32
      %jit3A_150 = arith.constant 4 : i32
      %div3A_151 = arith.divsi %select_n3A_149, %jit3A_150 : i32
      %sign3A_152 = arith.constant 0 : i32
      %sign3A_153 = arith.cmpi sgt, %select_n3A_149, %sign3A_152 : i32
      %sign3A_154 = arith.extui %sign3A_153 : i1 to i32
      %sign3A_155 = arith.constant 0 : i32
      %sign3A_156 = arith.cmpi slt, %select_n3A_149, %sign3A_155 : i32
      %sign3A_157 = arith.extui %sign3A_156 : i1 to i32
      %sign3A_158 = arith.subi %sign3A_154, %sign3A_157 : i32
      %sign3A_159 = arith.constant 0 : i32
      %sign3A_160 = arith.cmpi sgt, %jit3A_150, %sign3A_159 : i32
      %sign3A_161 = arith.extui %sign3A_160 : i1 to i32
      %sign3A_162 = arith.constant 0 : i32
      %sign3A_163 = arith.cmpi slt, %jit3A_150, %sign3A_162 : i32
      %sign3A_164 = arith.extui %sign3A_163 : i1 to i32
      %sign3A_165 = arith.subi %sign3A_161, %sign3A_164 : i32
      %ne3A_166 = arith.cmpi ne, %sign3A_158, %sign3A_165 : i32
      %rem3A_167 = arith.remsi %select_n3A_149, %jit3A_150 : i32
      %ne3A_168 = arith.constant 0 : i32
      %ne3A_169 = arith.cmpi ne, %rem3A_167, %ne3A_168 : i32
      %and3A_170 = arith.andi %ne3A_166, %ne3A_169 : i1
      %sub3A_171 = arith.constant 1 : i32
      %sub3A_172 = arith.subi %div3A_151, %sub3A_171 : i32
      %select_n3A_173 = arith.select %and3A_170, %sub3A_172, %div3A_151 : i32
      %mul3A_174 = arith.constant 8 : i32
      %mul3A_175 = arith.muli %select_n3A_173, %mul3A_174 : i32
      %jit3A_176 = arith.constant 4 : i32
      %eq3A_177 = arith.constant 0 : i32
      %eq3A_178 = arith.cmpi eq, %jit3A_176, %eq3A_177 : i32
      %jit3A_179 = arith.constant 1 : i32
      %select_n3A_180 = arith.select %eq3A_178, %jit3A_179, %jit3A_176 : i32
      %rem3A_181 = arith.remsi %select_n3A_149, %select_n3A_180 : i32
      %ne3A_182 = arith.constant 0 : i32
      %ne3A_183 = arith.cmpi ne, %rem3A_181, %ne3A_182 : i32
      %lt3A_184 = arith.constant 0 : i32
      %lt3A_185 = arith.cmpi slt, %rem3A_181, %lt3A_184 : i32
      %lt3A_186 = arith.constant 0 : i32
      %lt3A_187 = arith.cmpi slt, %select_n3A_180, %lt3A_186 : i32
      %ne3A_188 = arith.xori %lt3A_185, %lt3A_187 : i1
      %and3A_189 = arith.andi %ne3A_188, %ne3A_183 : i1
      %add3A_190 = arith.addi %rem3A_181, %select_n3A_180 : i32
      %select_n3A_191 = arith.select %and3A_189, %add3A_190, %rem3A_181 : i32
      %mul3A_192 = arith.constant 128 : i32
      %mul3A_193 = arith.muli %select_n3A_191, %mul3A_192 : i32
      %mul3A_194 = arith.constant 19 : i32
      %mul3A_195 = arith.muli %select_n3A_133, %mul3A_194 : i32
      %dma_start3A_196 = tpu.memref_slice %arg2[%mul3A_195, %mul3A_175, %mul3A_193] : memref<152x512x512xf32, #tpu.memory_space<hbm>> -> memref<19x8x128xf32, #tpu.memory_space<hbm>>
      %dma_start3A_197 = tpu.memref_slice %arg2[%mul3A_195, %mul3A_175, %mul3A_193] : memref<152x512x512xf32, #tpu.memory_space<hbm>> -> memref<19x8x128xf32, #tpu.memory_space<hbm>>
      tpu.enqueue_dma source(%dma_start3A_197 : memref<19x8x128xf32, #tpu.memory_space<hbm>>) target(%arg7 : memref<19x8x128xf32, #tpu.memory_space<vmem>>) target_semaphore(%arg11 : memref<!tpu.dma_semaphore, #tpu.memory_space<semaphore_mem>>)
      %dma_wait3A_198 = arith.constant 0 : i32
      %dma_wait3A_199 = arith.constant 0 : i32
      %dma_wait3A_200 = arith.constant 0 : i32
      %dma_wait3A_201 = tpu.memref_slice %arg2[%dma_wait3A_198, %dma_wait3A_199, %dma_wait3A_200] : memref<152x512x512xf32, #tpu.memory_space<hbm>> -> memref<19x8x128xf32, #tpu.memory_space<hbm>>
      %dma_wait3A_202 = arith.constant 0 : i32
      %dma_wait3A_203 = arith.constant 0 : i32
      %dma_wait3A_204 = arith.constant 0 : i32
      %dma_wait3A_205 = tpu.memref_slice %arg2[%dma_wait3A_202, %dma_wait3A_203, %dma_wait3A_204] : memref<152x512x512xf32, #tpu.memory_space<hbm>> -> memref<19x8x128xf32, #tpu.memory_space<hbm>>
      tpu.wait_dma2 semaphore(%arg10 : memref<!tpu.dma_semaphore, #tpu.memory_space<semaphore_mem>>) src(%dma_wait3A_205 : memref<19x8x128xf32, #tpu.memory_space<hbm>>) dst(%arg6 : memref<19x8x128xf32, #tpu.memory_space<vmem>>)
      %gt3A = arith.constant 0 : i32
      %gt3A_206 = arith.cmpi sgt, %scan3A_100, %gt3A : i32
      %convert_element_type3A = arith.extui %gt3A_206 : i1 to i32
      %cond3A = arith.constant 0 : i32
      %cond3A_207 = arith.cmpi ne, %convert_element_type3A, %cond3A : i32
      scf.if %cond3A_207 {
        %dma_wait3A_420 = arith.constant 0 : i32
        %dma_wait3A_421 = arith.constant 0 : i32
        %dma_wait3A_422 = arith.constant 0 : i32
        %dma_wait3A_423 = tpu.memref_slice %arg4[%dma_wait3A_420, %dma_wait3A_421, %dma_wait3A_422] : memref<152x512x512xf32, #tpu.memory_space<hbm>> -> memref<19x8x128xf32, #tpu.memory_space<hbm>>
        %dma_wait3A_424 = arith.constant 0 : i32
        %dma_wait3A_425 = arith.constant 0 : i32
        %dma_wait3A_426 = arith.constant 0 : i32
        %dma_wait3A_427 = tpu.memref_slice %arg4[%dma_wait3A_424, %dma_wait3A_425, %dma_wait3A_426] : memref<152x512x512xf32, #tpu.memory_space<hbm>> -> memref<19x8x128xf32, #tpu.memory_space<hbm>>
        tpu.wait_dma2 semaphore(%arg12 : memref<!tpu.dma_semaphore, #tpu.memory_space<semaphore_mem>>) src(%arg8 : memref<19x8x128xf32, #tpu.memory_space<vmem>>) dst(%dma_wait3A_427 : memref<19x8x128xf32, #tpu.memory_space<hbm>>)
      } else {
      }
      %scan3A_208 = arith.constant 0 : i32
      %scan3A_209 = arith.constant 0 : i32
      %scan3A_210 = arith.constant 64 : i32
      %scan3A_211 = arith.addi %scan3A_209, %scan3A_210 : i32
      %scan3A_212 = arith.constant 1 : i32
      scf.for %scan3A_420 = %scan3A_209 to %scan3A_211 step %scan3A_212  : i32 {
        %shift_right_arithmetic3A = arith.constant 3 : i32
        %shift_right_arithmetic3A_421 = arith.shrsi %scan3A_420, %shift_right_arithmetic3A : i32
        %and3A_422 = arith.constant 7 : i32
        %and3A_423 = arith.andi %scan3A_420, %and3A_422 : i32
        %mul3A_424 = arith.constant 16 : i32
        %mul3A_425 = arith.muli %and3A_423, %mul3A_424 : i32
        %get3A = arith.constant 0 : i32
        %get3A_426 = arith.index_cast %get3A : i32 to index
        %get3A_427 = arith.index_cast %shift_right_arithmetic3A_421 : i32 to index
        %get3A_428 = arith.index_cast %mul3A_425 : i32 to index
        %get3A_429 = tpu.vector_load %arg6[%get3A_426, %get3A_427, %get3A_428] {strides = array<i32>} : memref<19x8x128xf32, #tpu.memory_space<vmem>>, vector<16xf32>,
        %exp3A = math.exp %get3A_429 : vector<16xf32>
        %get3A_430 = arith.constant 1 : i32
        %get3A_431 = arith.index_cast %get3A_430 : i32 to index
        %get3A_432 = arith.index_cast %shift_right_arithmetic3A_421 : i32 to index
        %get3A_433 = arith.index_cast %mul3A_425 : i32 to index
        %get3A_434 = tpu.vector_load %arg6[%get3A_431, %get3A_432, %get3A_433] {strides = array<i32>} : memref<19x8x128xf32, #tpu.memory_space<vmem>>, vector<16xf32>,
        %exp3A_435 = math.exp %get3A_434 : vector<16xf32>
        %get3A_436 = arith.constant 2 : i32
        %get3A_437 = arith.index_cast %get3A_436 : i32 to index
        %get3A_438 = arith.index_cast %shift_right_arithmetic3A_421 : i32 to index
        %get3A_439 = arith.index_cast %mul3A_425 : i32 to index
        %get3A_440 = tpu.vector_load %arg6[%get3A_437, %get3A_438, %get3A_439] {strides = array<i32>} : memref<19x8x128xf32, #tpu.memory_space<vmem>>, vector<16xf32>,
        %exp3A_441 = math.exp %get3A_440 : vector<16xf32>
        %get3A_442 = arith.constant 3 : i32
        %get3A_443 = arith.index_cast %get3A_442 : i32 to index
        %get3A_444 = arith.index_cast %shift_right_arithmetic3A_421 : i32 to index
        %get3A_445 = arith.index_cast %mul3A_425 : i32 to index
        %get3A_446 = tpu.vector_load %arg6[%get3A_443, %get3A_444, %get3A_445] {strides = array<i32>} : memref<19x8x128xf32, #tpu.memory_space<vmem>>, vector<16xf32>,
        %exp3A_447 = math.exp %get3A_446 : vector<16xf32>
        %get3A_448 = arith.constant 4 : i32
        %get3A_449 = arith.index_cast %get3A_448 : i32 to index
        %get3A_450 = arith.index_cast %shift_right_arithmetic3A_421 : i32 to index
        %get3A_451 = arith.index_cast %mul3A_425 : i32 to index
        %get3A_452 = tpu.vector_load %arg6[%get3A_449, %get3A_450, %get3A_451] {strides = array<i32>} : memref<19x8x128xf32, #tpu.memory_space<vmem>>, vector<16xf32>,
        %exp3A_453 = math.exp %get3A_452 : vector<16xf32>
        %get3A_454 = arith.constant 5 : i32
        %get3A_455 = arith.index_cast %get3A_454 : i32 to index
        %get3A_456 = arith.index_cast %shift_right_arithmetic3A_421 : i32 to index
        %get3A_457 = arith.index_cast %mul3A_425 : i32 to index
        %get3A_458 = tpu.vector_load %arg6[%get3A_455, %get3A_456, %get3A_457] {strides = array<i32>} : memref<19x8x128xf32, #tpu.memory_space<vmem>>, vector<16xf32>,
        %exp3A_459 = math.exp %get3A_458 : vector<16xf32>
        %get3A_460 = arith.constant 6 : i32
        %get3A_461 = arith.index_cast %get3A_460 : i32 to index
        %get3A_462 = arith.index_cast %shift_right_arithmetic3A_421 : i32 to index
        %get3A_463 = arith.index_cast %mul3A_425 : i32 to index
        %get3A_464 = tpu.vector_load %arg6[%get3A_461, %get3A_462, %get3A_463] {strides = array<i32>} : memref<19x8x128xf32, #tpu.memory_space<vmem>>, vector<16xf32>,
        %exp3A_465 = math.exp %get3A_464 : vector<16xf32>
        %get3A_466 = arith.constant 7 : i32
        %get3A_467 = arith.index_cast %get3A_466 : i32 to index
        %get3A_468 = arith.index_cast %shift_right_arithmetic3A_421 : i32 to index
        %get3A_469 = arith.index_cast %mul3A_425 : i32 to index
        %get3A_470 = tpu.vector_load %arg6[%get3A_467, %get3A_468, %get3A_469] {strides = array<i32>} : memref<19x8x128xf32, #tpu.memory_space<vmem>>, vector<16xf32>,
        %exp3A_471 = math.exp %get3A_470 : vector<16xf32>
        %get3A_472 = arith.constant 8 : i32
        %get3A_473 = arith.index_cast %get3A_472 : i32 to index
        %get3A_474 = arith.index_cast %shift_right_arithmetic3A_421 : i32 to index
        %get3A_475 = arith.index_cast %mul3A_425 : i32 to index
        %get3A_476 = tpu.vector_load %arg6[%get3A_473, %get3A_474, %get3A_475] {strides = array<i32>} : memref<19x8x128xf32, #tpu.memory_space<vmem>>, vector<16xf32>,
        %exp3A_477 = math.exp %get3A_476 : vector<16xf32>
        %get3A_478 = arith.constant 9 : i32
        %get3A_479 = arith.index_cast %get3A_478 : i32 to index
        %get3A_480 = arith.index_cast %shift_right_arithmetic3A_421 : i32 to index
        %get3A_481 = arith.index_cast %mul3A_425 : i32 to index
        %get3A_482 = tpu.vector_load %arg6[%get3A_479, %get3A_480, %get3A_481] {strides = array<i32>} : memref<19x8x128xf32, #tpu.memory_space<vmem>>, vector<16xf32>,
        %exp3A_483 = math.exp %get3A_482 : vector<16xf32>
        %get3A_484 = arith.constant 10 : i32
        %get3A_485 = arith.index_cast %get3A_484 : i32 to index
        %get3A_486 = arith.index_cast %shift_right_arithmetic3A_421 : i32 to index
        %get3A_487 = arith.index_cast %mul3A_425 : i32 to index
        %get3A_488 = tpu.vector_load %arg6[%get3A_485, %get3A_486, %get3A_487] {strides = array<i32>} : memref<19x8x128xf32, #tpu.memory_space<vmem>>, vector<16xf32>,
        %exp3A_489 = math.exp %get3A_488 : vector<16xf32>
        %get3A_490 = arith.constant 11 : i32
        %get3A_491 = arith.index_cast %get3A_490 : i32 to index
        %get3A_492 = arith.index_cast %shift_right_arithmetic3A_421 : i32 to index
        %get3A_493 = arith.index_cast %mul3A_425 : i32 to index
        %get3A_494 = tpu.vector_load %arg6[%get3A_491, %get3A_492, %get3A_493] {strides = array<i32>} : memref<19x8x128xf32, #tpu.memory_space<vmem>>, vector<16xf32>,
        %exp3A_495 = math.exp %get3A_494 : vector<16xf32>
        %get3A_496 = arith.constant 12 : i32
        %get3A_497 = arith.index_cast %get3A_496 : i32 to index
        %get3A_498 = arith.index_cast %shift_right_arithmetic3A_421 : i32 to index
        %get3A_499 = arith.index_cast %mul3A_425 : i32 to index
        %get3A_500 = tpu.vector_load %arg6[%get3A_497, %get3A_498, %get3A_499] {strides = array<i32>} : memref<19x8x128xf32, #tpu.memory_space<vmem>>, vector<16xf32>,
        %exp3A_501 = math.exp %get3A_500 : vector<16xf32>
        %get3A_502 = arith.constant 13 : i32
        %get3A_503 = arith.index_cast %get3A_502 : i32 to index
        %get3A_504 = arith.index_cast %shift_right_arithmetic3A_421 : i32 to index
        %get3A_505 = arith.index_cast %mul3A_425 : i32 to index
        %get3A_506 = tpu.vector_load %arg6[%get3A_503, %get3A_504, %get3A_505] {strides = array<i32>} : memref<19x8x128xf32, #tpu.memory_space<vmem>>, vector<16xf32>,
        %exp3A_507 = math.exp %get3A_506 : vector<16xf32>
        %get3A_508 = arith.constant 14 : i32
        %get3A_509 = arith.index_cast %get3A_508 : i32 to index
        %get3A_510 = arith.index_cast %shift_right_arithmetic3A_421 : i32 to index
        %get3A_511 = arith.index_cast %mul3A_425 : i32 to index
        %get3A_512 = tpu.vector_load %arg6[%get3A_509, %get3A_510, %get3A_511] {strides = array<i32>} : memref<19x8x128xf32, #tpu.memory_space<vmem>>, vector<16xf32>,
        %exp3A_513 = math.exp %get3A_512 : vector<16xf32>
        %get3A_514 = arith.constant 15 : i32
        %get3A_515 = arith.index_cast %get3A_514 : i32 to index
        %get3A_516 = arith.index_cast %shift_right_arithmetic3A_421 : i32 to index
        %get3A_517 = arith.index_cast %mul3A_425 : i32 to index
        %get3A_518 = tpu.vector_load %arg6[%get3A_515, %get3A_516, %get3A_517] {strides = array<i32>} : memref<19x8x128xf32, #tpu.memory_space<vmem>>, vector<16xf32>,
        %exp3A_519 = math.exp %get3A_518 : vector<16xf32>
        %get3A_520 = arith.constant 16 : i32
        %get3A_521 = arith.index_cast %get3A_520 : i32 to index
        %get3A_522 = arith.index_cast %shift_right_arithmetic3A_421 : i32 to index
        %get3A_523 = arith.index_cast %mul3A_425 : i32 to index
        %get3A_524 = tpu.vector_load %arg6[%get3A_521, %get3A_522, %get3A_523] {strides = array<i32>} : memref<19x8x128xf32, #tpu.memory_space<vmem>>, vector<16xf32>,
        %exp3A_525 = math.exp %get3A_524 : vector<16xf32>
        %get3A_526 = arith.constant 17 : i32
        %get3A_527 = arith.index_cast %get3A_526 : i32 to index
        %get3A_528 = arith.index_cast %shift_right_arithmetic3A_421 : i32 to index
        %get3A_529 = arith.index_cast %mul3A_425 : i32 to index
        %get3A_530 = tpu.vector_load %arg6[%get3A_527, %get3A_528, %get3A_529] {strides = array<i32>} : memref<19x8x128xf32, #tpu.memory_space<vmem>>, vector<16xf32>,
        %exp3A_531 = math.exp %get3A_530 : vector<16xf32>
        %get3A_532 = arith.constant 18 : i32
        %get3A_533 = arith.index_cast %get3A_532 : i32 to index
        %get3A_534 = arith.index_cast %shift_right_arithmetic3A_421 : i32 to index
        %get3A_535 = arith.index_cast %mul3A_425 : i32 to index
        %get3A_536 = tpu.vector_load %arg6[%get3A_533, %get3A_534, %get3A_535] {strides = array<i32>} : memref<19x8x128xf32, #tpu.memory_space<vmem>>, vector<16xf32>,
        %exp3A_537 = math.exp %get3A_536 : vector<16xf32>
        %add3A_538 = arith.addf %exp3A, %exp3A_435 : vector<16xf32>
        %add3A_539 = arith.addf %add3A_538, %exp3A_441 : vector<16xf32>
        %add3A_540 = arith.addf %add3A_539, %exp3A_447 : vector<16xf32>
        %add3A_541 = arith.addf %add3A_540, %exp3A_453 : vector<16xf32>
        %add3A_542 = arith.addf %add3A_541, %exp3A_459 : vector<16xf32>
        %add3A_543 = arith.addf %add3A_542, %exp3A_465 : vector<16xf32>
        %add3A_544 = arith.addf %add3A_543, %exp3A_471 : vector<16xf32>
        %add3A_545 = arith.addf %add3A_544, %exp3A_477 : vector<16xf32>
        %add3A_546 = arith.addf %add3A_545, %exp3A_483 : vector<16xf32>
        %add3A_547 = arith.addf %add3A_546, %exp3A_489 : vector<16xf32>
        %add3A_548 = arith.addf %add3A_547, %exp3A_495 : vector<16xf32>
        %add3A_549 = arith.addf %add3A_548, %exp3A_501 : vector<16xf32>
        %add3A_550 = arith.addf %add3A_549, %exp3A_507 : vector<16xf32>
        %add3A_551 = arith.addf %add3A_550, %exp3A_513 : vector<16xf32>
        %add3A_552 = arith.addf %add3A_551, %exp3A_519 : vector<16xf32>
        %add3A_553 = arith.addf %add3A_552, %exp3A_525 : vector<16xf32>
        %add3A_554 = arith.addf %add3A_553, %exp3A_531 : vector<16xf32>
        %add3A_555 = arith.addf %add3A_554, %exp3A_537 : vector<16xf32>
        %div3A_556 = arith.constant 1.500000e+01 : f32
        %div3A_557 = vector.broadcast %div3A_556 : f32 to vector<16xf32>
        %div3A_558 = arith.divf %div3A_557, %add3A_555 : vector<16xf32>
        %mul3A_559 = arith.mulf %exp3A, %div3A_558 : vector<16xf32>
        %convert_element_type3A_560 = arith.fptosi %mul3A_559 : vector<16xf32> to vector<16xi32>
        %add3A_561 = arith.constant 0 : i32
        %add3A_562 = vector.broadcast %add3A_561 : i32 to vector<16xi32>
        %add3A_563 = arith.addi %convert_element_type3A_560, %add3A_562 : vector<16xi32>
        %gather3A = tpu.vector_load_idx %arg5[%add3A_563] : memref<304xf32, #tpu.memory_space<vmem>>[vector<16xi32>], vector<16xf32>,
        %mul3A_564 = arith.mulf %exp3A_435, %div3A_558 : vector<16xf32>
        %convert_element_type3A_565 = arith.fptosi %mul3A_564 : vector<16xf32> to vector<16xi32>
        %add3A_566 = arith.constant 16 : i32
        %add3A_567 = vector.broadcast %add3A_566 : i32 to vector<16xi32>
        %add3A_568 = arith.addi %convert_element_type3A_565, %add3A_567 : vector<16xi32>
        %gather3A_569 = tpu.vector_load_idx %arg5[%add3A_568] : memref<304xf32, #tpu.memory_space<vmem>>[vector<16xi32>], vector<16xf32>,
        %add3A_570 = arith.addf %gather3A, %gather3A_569 : vector<16xf32>
        %mul3A_571 = arith.mulf %exp3A_441, %div3A_558 : vector<16xf32>
        %convert_element_type3A_572 = arith.fptosi %mul3A_571 : vector<16xf32> to vector<16xi32>
        %add3A_573 = arith.constant 32 : i32
        %add3A_574 = vector.broadcast %add3A_573 : i32 to vector<16xi32>
        %add3A_575 = arith.addi %convert_element_type3A_572, %add3A_574 : vector<16xi32>
        %gather3A_576 = tpu.vector_load_idx %arg5[%add3A_575] : memref<304xf32, #tpu.memory_space<vmem>>[vector<16xi32>], vector<16xf32>,
        %add3A_577 = arith.addf %add3A_570, %gather3A_576 : vector<16xf32>
        %mul3A_578 = arith.mulf %exp3A_447, %div3A_558 : vector<16xf32>
        %convert_element_type3A_579 = arith.fptosi %mul3A_578 : vector<16xf32> to vector<16xi32>
        %add3A_580 = arith.constant 48 : i32
        %add3A_581 = vector.broadcast %add3A_580 : i32 to vector<16xi32>
        %add3A_582 = arith.addi %convert_element_type3A_579, %add3A_581 : vector<16xi32>
        %gather3A_583 = tpu.vector_load_idx %arg5[%add3A_582] : memref<304xf32, #tpu.memory_space<vmem>>[vector<16xi32>], vector<16xf32>,
        %add3A_584 = arith.addf %add3A_577, %gather3A_583 : vector<16xf32>
        %mul3A_585 = arith.mulf %exp3A_453, %div3A_558 : vector<16xf32>
        %convert_element_type3A_586 = arith.fptosi %mul3A_585 : vector<16xf32> to vector<16xi32>
        %add3A_587 = arith.constant 64 : i32
        %add3A_588 = vector.broadcast %add3A_587 : i32 to vector<16xi32>
        %add3A_589 = arith.addi %convert_element_type3A_586, %add3A_588 : vector<16xi32>
        %gather3A_590 = tpu.vector_load_idx %arg5[%add3A_589] : memref<304xf32, #tpu.memory_space<vmem>>[vector<16xi32>], vector<16xf32>,
        %add3A_591 = arith.addf %add3A_584, %gather3A_590 : vector<16xf32>
        %mul3A_592 = arith.mulf %exp3A_459, %div3A_558 : vector<16xf32>
        %convert_element_type3A_593 = arith.fptosi %mul3A_592 : vector<16xf32> to vector<16xi32>
        %add3A_594 = arith.constant 80 : i32
        %add3A_595 = vector.broadcast %add3A_594 : i32 to vector<16xi32>
        %add3A_596 = arith.addi %convert_element_type3A_593, %add3A_595 : vector<16xi32>
        %gather3A_597 = tpu.vector_load_idx %arg5[%add3A_596] : memref<304xf32, #tpu.memory_space<vmem>>[vector<16xi32>], vector<16xf32>,
        %add3A_598 = arith.addf %add3A_591, %gather3A_597 : vector<16xf32>
        %mul3A_599 = arith.mulf %exp3A_465, %div3A_558 : vector<16xf32>
        %convert_element_type3A_600 = arith.fptosi %mul3A_599 : vector<16xf32> to vector<16xi32>
        %add3A_601 = arith.constant 96 : i32
        %add3A_602 = vector.broadcast %add3A_601 : i32 to vector<16xi32>
        %add3A_603 = arith.addi %convert_element_type3A_600, %add3A_602 : vector<16xi32>
        %gather3A_604 = tpu.vector_load_idx %arg5[%add3A_603] : memref<304xf32, #tpu.memory_space<vmem>>[vector<16xi32>], vector<16xf32>,
        %add3A_605 = arith.addf %add3A_598, %gather3A_604 : vector<16xf32>
        %mul3A_606 = arith.mulf %exp3A_471, %div3A_558 : vector<16xf32>
        %convert_element_type3A_607 = arith.fptosi %mul3A_606 : vector<16xf32> to vector<16xi32>
        %add3A_608 = arith.constant 112 : i32
        %add3A_609 = vector.broadcast %add3A_608 : i32 to vector<16xi32>
        %add3A_610 = arith.addi %convert_element_type3A_607, %add3A_609 : vector<16xi32>
        %gather3A_611 = tpu.vector_load_idx %arg5[%add3A_610] : memref<304xf32, #tpu.memory_space<vmem>>[vector<16xi32>], vector<16xf32>,
        %add3A_612 = arith.addf %add3A_605, %gather3A_611 : vector<16xf32>
        %mul3A_613 = arith.mulf %exp3A_477, %div3A_558 : vector<16xf32>
        %convert_element_type3A_614 = arith.fptosi %mul3A_613 : vector<16xf32> to vector<16xi32>
        %add3A_615 = arith.constant 128 : i32
        %add3A_616 = vector.broadcast %add3A_615 : i32 to vector<16xi32>
        %add3A_617 = arith.addi %convert_element_type3A_614, %add3A_616 : vector<16xi32>
        %gather3A_618 = tpu.vector_load_idx %arg5[%add3A_617] : memref<304xf32, #tpu.memory_space<vmem>>[vector<16xi32>], vector<16xf32>,
        %add3A_619 = arith.addf %add3A_612, %gather3A_618 : vector<16xf32>
        %mul3A_620 = arith.mulf %exp3A_483, %div3A_558 : vector<16xf32>
        %convert_element_type3A_621 = arith.fptosi %mul3A_620 : vector<16xf32> to vector<16xi32>
        %add3A_622 = arith.constant 144 : i32
        %add3A_623 = vector.broadcast %add3A_622 : i32 to vector<16xi32>
        %add3A_624 = arith.addi %convert_element_type3A_621, %add3A_623 : vector<16xi32>
        %gather3A_625 = tpu.vector_load_idx %arg5[%add3A_624] : memref<304xf32, #tpu.memory_space<vmem>>[vector<16xi32>], vector<16xf32>,
        %add3A_626 = arith.addf %add3A_619, %gather3A_625 : vector<16xf32>
        %mul3A_627 = arith.mulf %exp3A_489, %div3A_558 : vector<16xf32>
        %convert_element_type3A_628 = arith.fptosi %mul3A_627 : vector<16xf32> to vector<16xi32>
        %add3A_629 = arith.constant 160 : i32
        %add3A_630 = vector.broadcast %add3A_629 : i32 to vector<16xi32>
        %add3A_631 = arith.addi %convert_element_type3A_628, %add3A_630 : vector<16xi32>
        %gather3A_632 = tpu.vector_load_idx %arg5[%add3A_631] : memref<304xf32, #tpu.memory_space<vmem>>[vector<16xi32>], vector<16xf32>,
        %add3A_633 = arith.addf %add3A_626, %gather3A_632 : vector<16xf32>
        %mul3A_634 = arith.mulf %exp3A_495, %div3A_558 : vector<16xf32>
        %convert_element_type3A_635 = arith.fptosi %mul3A_634 : vector<16xf32> to vector<16xi32>
        %add3A_636 = arith.constant 176 : i32
        %add3A_637 = vector.broadcast %add3A_636 : i32 to vector<16xi32>
        %add3A_638 = arith.addi %convert_element_type3A_635, %add3A_637 : vector<16xi32>
        %gather3A_639 = tpu.vector_load_idx %arg5[%add3A_638] : memref<304xf32, #tpu.memory_space<vmem>>[vector<16xi32>], vector<16xf32>,
        %add3A_640 = arith.addf %add3A_633, %gather3A_639 : vector<16xf32>
        %mul3A_641 = arith.mulf %exp3A_501, %div3A_558 : vector<16xf32>
        %convert_element_type3A_642 = arith.fptosi %mul3A_641 : vector<16xf32> to vector<16xi32>
        %add3A_643 = arith.constant 192 : i32
        %add3A_644 = vector.broadcast %add3A_643 : i32 to vector<16xi32>
        %add3A_645 = arith.addi %convert_element_type3A_642, %add3A_644 : vector<16xi32>
        %gather3A_646 = tpu.vector_load_idx %arg5[%add3A_645] : memref<304xf32, #tpu.memory_space<vmem>>[vector<16xi32>], vector<16xf32>,
        %add3A_647 = arith.addf %add3A_640, %gather3A_646 : vector<16xf32>
        %mul3A_648 = arith.mulf %exp3A_507, %div3A_558 : vector<16xf32>
        %convert_element_type3A_649 = arith.fptosi %mul3A_648 : vector<16xf32> to vector<16xi32>
        %add3A_650 = arith.constant 208 : i32
        %add3A_651 = vector.broadcast %add3A_650 : i32 to vector<16xi32>
        %add3A_652 = arith.addi %convert_element_type3A_649, %add3A_651 : vector<16xi32>
        %gather3A_653 = tpu.vector_load_idx %arg5[%add3A_652] : memref<304xf32, #tpu.memory_space<vmem>>[vector<16xi32>], vector<16xf32>,
        %add3A_654 = arith.addf %add3A_647, %gather3A_653 : vector<16xf32>
        %mul3A_655 = arith.mulf %exp3A_513, %div3A_558 : vector<16xf32>
        %convert_element_type3A_656 = arith.fptosi %mul3A_655 : vector<16xf32> to vector<16xi32>
        %add3A_657 = arith.constant 224 : i32
        %add3A_658 = vector.broadcast %add3A_657 : i32 to vector<16xi32>
        %add3A_659 = arith.addi %convert_element_type3A_656, %add3A_658 : vector<16xi32>
        %gather3A_660 = tpu.vector_load_idx %arg5[%add3A_659] : memref<304xf32, #tpu.memory_space<vmem>>[vector<16xi32>], vector<16xf32>,
        %add3A_661 = arith.addf %add3A_654, %gather3A_660 : vector<16xf32>
        %mul3A_662 = arith.mulf %exp3A_519, %div3A_558 : vector<16xf32>
        %convert_element_type3A_663 = arith.fptosi %mul3A_662 : vector<16xf32> to vector<16xi32>
        %add3A_664 = arith.constant 240 : i32
        %add3A_665 = vector.broadcast %add3A_664 : i32 to vector<16xi32>
        %add3A_666 = arith.addi %convert_element_type3A_663, %add3A_665 : vector<16xi32>
        %gather3A_667 = tpu.vector_load_idx %arg5[%add3A_666] : memref<304xf32, #tpu.memory_space<vmem>>[vector<16xi32>], vector<16xf32>,
        %add3A_668 = arith.addf %add3A_661, %gather3A_667 : vector<16xf32>
        %mul3A_669 = arith.mulf %exp3A_525, %div3A_558 : vector<16xf32>
        %convert_element_type3A_670 = arith.fptosi %mul3A_669 : vector<16xf32> to vector<16xi32>
        %add3A_671 = arith.constant 256 : i32
        %add3A_672 = vector.broadcast %add3A_671 : i32 to vector<16xi32>
        %add3A_673 = arith.addi %convert_element_type3A_670, %add3A_672 : vector<16xi32>
        %gather3A_674 = tpu.vector_load_idx %arg5[%add3A_673] : memref<304xf32, #tpu.memory_space<vmem>>[vector<16xi32>], vector<16xf32>,
        %add3A_675 = arith.addf %add3A_668, %gather3A_674 : vector<16xf32>
        %mul3A_676 = arith.mulf %exp3A_531, %div3A_558 : vector<16xf32>
        %convert_element_type3A_677 = arith.fptosi %mul3A_676 : vector<16xf32> to vector<16xi32>
        %add3A_678 = arith.constant 272 : i32
        %add3A_679 = vector.broadcast %add3A_678 : i32 to vector<16xi32>
        %add3A_680 = arith.addi %convert_element_type3A_677, %add3A_679 : vector<16xi32>
        %gather3A_681 = tpu.vector_load_idx %arg5[%add3A_680] : memref<304xf32, #tpu.memory_space<vmem>>[vector<16xi32>], vector<16xf32>,
        %add3A_682 = arith.addf %add3A_675, %gather3A_681 : vector<16xf32>
        %mul3A_683 = arith.mulf %exp3A_537, %div3A_558 : vector<16xf32>
        %convert_element_type3A_684 = arith.fptosi %mul3A_683 : vector<16xf32> to vector<16xi32>
        %add3A_685 = arith.constant 288 : i32
        %add3A_686 = vector.broadcast %add3A_685 : i32 to vector<16xi32>
        %add3A_687 = arith.addi %convert_element_type3A_684, %add3A_686 : vector<16xi32>
        %gather3A_688 = tpu.vector_load_idx %arg5[%add3A_687] : memref<304xf32, #tpu.memory_space<vmem>>[vector<16xi32>], vector<16xf32>,
        %add3A_689 = arith.addf %add3A_682, %gather3A_688 : vector<16xf32>
        %max3A = arith.constant 1.000000e-35 : f32
        %max3A_690 = vector.broadcast %max3A : f32 to vector<16xf32>
        %max3A_691 = arith.maximumf %add3A_689, %max3A_690 : vector<16xf32>
        %div3A_692 = arith.constant 1.000000e+00 : f32
        %div3A_693 = vector.broadcast %div3A_692 : f32 to vector<16xf32>
        %div3A_694 = arith.divf %div3A_693, %max3A_691 : vector<16xf32>
        %mul3A_695 = arith.mulf %gather3A, %div3A_694 : vector<16xf32>
        %swap3A = arith.constant 0 : i32
        %swap3A_696 = arith.index_cast %swap3A : i32 to index
        %swap3A_697 = arith.index_cast %shift_right_arithmetic3A_421 : i32 to index
        %swap3A_698 = arith.index_cast %mul3A_425 : i32 to index
        %swap3A_699 = tpu.vector_load %arg8[%swap3A_696, %swap3A_697, %swap3A_698] {strides = array<i32>} : memref<19x8x128xf32, #tpu.memory_space<vmem>>, vector<16xf32>,
        tpu.vector_store %arg8[%swap3A_696, %swap3A_697, %swap3A_698], %mul3A_695 {strides = array<i32>} : memref<19x8x128xf32, #tpu.memory_space<vmem>>, vector<16xf32>,
        %mul3A_700 = arith.mulf %gather3A_569, %div3A_694 : vector<16xf32>
        %swap3A_701 = arith.constant 1 : i32
        %swap3A_702 = arith.index_cast %swap3A_701 : i32 to index
        %swap3A_703 = arith.index_cast %shift_right_arithmetic3A_421 : i32 to index
        %swap3A_704 = arith.index_cast %mul3A_425 : i32 to index
        %swap3A_705 = tpu.vector_load %arg8[%swap3A_702, %swap3A_703, %swap3A_704] {strides = array<i32>} : memref<19x8x128xf32, #tpu.memory_space<vmem>>, vector<16xf32>,
        tpu.vector_store %arg8[%swap3A_702, %swap3A_703, %swap3A_704], %mul3A_700 {strides = array<i32>} : memref<19x8x128xf32, #tpu.memory_space<vmem>>, vector<16xf32>,
        %mul3A_706 = arith.mulf %gather3A_576, %div3A_694 : vector<16xf32>
        %swap3A_707 = arith.constant 2 : i32
        %swap3A_708 = arith.index_cast %swap3A_707 : i32 to index
        %swap3A_709 = arith.index_cast %shift_right_arithmetic3A_421 : i32 to index
        %swap3A_710 = arith.index_cast %mul3A_425 : i32 to index
        %swap3A_711 = tpu.vector_load %arg8[%swap3A_708, %swap3A_709, %swap3A_710] {strides = array<i32>} : memref<19x8x128xf32, #tpu.memory_space<vmem>>, vector<16xf32>,
        tpu.vector_store %arg8[%swap3A_708, %swap3A_709, %swap3A_710], %mul3A_706 {strides = array<i32>} : memref<19x8x128xf32, #tpu.memory_space<vmem>>, vector<16xf32>,
        %mul3A_712 = arith.mulf %gather3A_583, %div3A_694 : vector<16xf32>
        %swap3A_713 = arith.constant 3 : i32
        %swap3A_714 = arith.index_cast %swap3A_713 : i32 to index
        %swap3A_715 = arith.index_cast %shift_right_arithmetic3A_421 : i32 to index
        %swap3A_716 = arith.index_cast %mul3A_425 : i32 to index
        %swap3A_717 = tpu.vector_load %arg8[%swap3A_714, %swap3A_715, %swap3A_716] {strides = array<i32>} : memref<19x8x128xf32, #tpu.memory_space<vmem>>, vector<16xf32>,
        tpu.vector_store %arg8[%swap3A_714, %swap3A_715, %swap3A_716], %mul3A_712 {strides = array<i32>} : memref<19x8x128xf32, #tpu.memory_space<vmem>>, vector<16xf32>,
        %mul3A_718 = arith.mulf %gather3A_590, %div3A_694 : vector<16xf32>
        %swap3A_719 = arith.constant 4 : i32
        %swap3A_720 = arith.index_cast %swap3A_719 : i32 to index
        %swap3A_721 = arith.index_cast %shift_right_arithmetic3A_421 : i32 to index
        %swap3A_722 = arith.index_cast %mul3A_425 : i32 to index
        %swap3A_723 = tpu.vector_load %arg8[%swap3A_720, %swap3A_721, %swap3A_722] {strides = array<i32>} : memref<19x8x128xf32, #tpu.memory_space<vmem>>, vector<16xf32>,
        tpu.vector_store %arg8[%swap3A_720, %swap3A_721, %swap3A_722], %mul3A_718 {strides = array<i32>} : memref<19x8x128xf32, #tpu.memory_space<vmem>>, vector<16xf32>,
        %mul3A_724 = arith.mulf %gather3A_597, %div3A_694 : vector<16xf32>
        %swap3A_725 = arith.constant 5 : i32
        %swap3A_726 = arith.index_cast %swap3A_725 : i32 to index
        %swap3A_727 = arith.index_cast %shift_right_arithmetic3A_421 : i32 to index
        %swap3A_728 = arith.index_cast %mul3A_425 : i32 to index
        %swap3A_729 = tpu.vector_load %arg8[%swap3A_726, %swap3A_727, %swap3A_728] {strides = array<i32>} : memref<19x8x128xf32, #tpu.memory_space<vmem>>, vector<16xf32>,
        tpu.vector_store %arg8[%swap3A_726, %swap3A_727, %swap3A_728], %mul3A_724 {strides = array<i32>} : memref<19x8x128xf32, #tpu.memory_space<vmem>>, vector<16xf32>,
        %mul3A_730 = arith.mulf %gather3A_604, %div3A_694 : vector<16xf32>
        %swap3A_731 = arith.constant 6 : i32
        %swap3A_732 = arith.index_cast %swap3A_731 : i32 to index
        %swap3A_733 = arith.index_cast %shift_right_arithmetic3A_421 : i32 to index
        %swap3A_734 = arith.index_cast %mul3A_425 : i32 to index
        %swap3A_735 = tpu.vector_load %arg8[%swap3A_732, %swap3A_733, %swap3A_734] {strides = array<i32>} : memref<19x8x128xf32, #tpu.memory_space<vmem>>, vector<16xf32>,
        tpu.vector_store %arg8[%swap3A_732, %swap3A_733, %swap3A_734], %mul3A_730 {strides = array<i32>} : memref<19x8x128xf32, #tpu.memory_space<vmem>>, vector<16xf32>,
        %mul3A_736 = arith.mulf %gather3A_611, %div3A_694 : vector<16xf32>
        %swap3A_737 = arith.constant 7 : i32
        %swap3A_738 = arith.index_cast %swap3A_737 : i32 to index
        %swap3A_739 = arith.index_cast %shift_right_arithmetic3A_421 : i32 to index
        %swap3A_740 = arith.index_cast %mul3A_425 : i32 to index
        %swap3A_741 = tpu.vector_load %arg8[%swap3A_738, %swap3A_739, %swap3A_740] {strides = array<i32>} : memref<19x8x128xf32, #tpu.memory_space<vmem>>, vector<16xf32>,
        tpu.vector_store %arg8[%swap3A_738, %swap3A_739, %swap3A_740], %mul3A_736 {strides = array<i32>} : memref<19x8x128xf32, #tpu.memory_space<vmem>>, vector<16xf32>,
        %mul3A_742 = arith.mulf %gather3A_618, %div3A_694 : vector<16xf32>
        %swap3A_743 = arith.constant 8 : i32
        %swap3A_744 = arith.index_cast %swap3A_743 : i32 to index
        %swap3A_745 = arith.index_cast %shift_right_arithmetic3A_421 : i32 to index
        %swap3A_746 = arith.index_cast %mul3A_425 : i32 to index
        %swap3A_747 = tpu.vector_load %arg8[%swap3A_744, %swap3A_745, %swap3A_746] {strides = array<i32>} : memref<19x8x128xf32, #tpu.memory_space<vmem>>, vector<16xf32>,
        tpu.vector_store %arg8[%swap3A_744, %swap3A_745, %swap3A_746], %mul3A_742 {strides = array<i32>} : memref<19x8x128xf32, #tpu.memory_space<vmem>>, vector<16xf32>,
        %mul3A_748 = arith.mulf %gather3A_625, %div3A_694 : vector<16xf32>
        %swap3A_749 = arith.constant 9 : i32
        %swap3A_750 = arith.index_cast %swap3A_749 : i32 to index
        %swap3A_751 = arith.index_cast %shift_right_arithmetic3A_421 : i32 to index
        %swap3A_752 = arith.index_cast %mul3A_425 : i32 to index
        %swap3A_753 = tpu.vector_load %arg8[%swap3A_750, %swap3A_751, %swap3A_752] {strides = array<i32>} : memref<19x8x128xf32, #tpu.memory_space<vmem>>, vector<16xf32>,
        tpu.vector_store %arg8[%swap3A_750, %swap3A_751, %swap3A_752], %mul3A_748 {strides = array<i32>} : memref<19x8x128xf32, #tpu.memory_space<vmem>>, vector<16xf32>,
        %mul3A_754 = arith.mulf %gather3A_632, %div3A_694 : vector<16xf32>
        %swap3A_755 = arith.constant 10 : i32
        %swap3A_756 = arith.index_cast %swap3A_755 : i32 to index
        %swap3A_757 = arith.index_cast %shift_right_arithmetic3A_421 : i32 to index
        %swap3A_758 = arith.index_cast %mul3A_425 : i32 to index
        %swap3A_759 = tpu.vector_load %arg8[%swap3A_756, %swap3A_757, %swap3A_758] {strides = array<i32>} : memref<19x8x128xf32, #tpu.memory_space<vmem>>, vector<16xf32>,
        tpu.vector_store %arg8[%swap3A_756, %swap3A_757, %swap3A_758], %mul3A_754 {strides = array<i32>} : memref<19x8x128xf32, #tpu.memory_space<vmem>>, vector<16xf32>,
        %mul3A_760 = arith.mulf %gather3A_639, %div3A_694 : vector<16xf32>
        %swap3A_761 = arith.constant 11 : i32
        %swap3A_762 = arith.index_cast %swap3A_761 : i32 to index
        %swap3A_763 = arith.index_cast %shift_right_arithmetic3A_421 : i32 to index
        %swap3A_764 = arith.index_cast %mul3A_425 : i32 to index
        %swap3A_765 = tpu.vector_load %arg8[%swap3A_762, %swap3A_763, %swap3A_764] {strides = array<i32>} : memref<19x8x128xf32, #tpu.memory_space<vmem>>, vector<16xf32>,
        tpu.vector_store %arg8[%swap3A_762, %swap3A_763, %swap3A_764], %mul3A_760 {strides = array<i32>} : memref<19x8x128xf32, #tpu.memory_space<vmem>>, vector<16xf32>,
        %mul3A_766 = arith.mulf %gather3A_646, %div3A_694 : vector<16xf32>
        %swap3A_767 = arith.constant 12 : i32
        %swap3A_768 = arith.index_cast %swap3A_767 : i32 to index
        %swap3A_769 = arith.index_cast %shift_right_arithmetic3A_421 : i32 to index
        %swap3A_770 = arith.index_cast %mul3A_425 : i32 to index
        %swap3A_771 = tpu.vector_load %arg8[%swap3A_768, %swap3A_769, %swap3A_770] {strides = array<i32>} : memref<19x8x128xf32, #tpu.memory_space<vmem>>, vector<16xf32>,
        tpu.vector_store %arg8[%swap3A_768, %swap3A_769, %swap3A_770], %mul3A_766 {strides = array<i32>} : memref<19x8x128xf32, #tpu.memory_space<vmem>>, vector<16xf32>,
        %mul3A_772 = arith.mulf %gather3A_653, %div3A_694 : vector<16xf32>
        %swap3A_773 = arith.constant 13 : i32
        %swap3A_774 = arith.index_cast %swap3A_773 : i32 to index
        %swap3A_775 = arith.index_cast %shift_right_arithmetic3A_421 : i32 to index
        %swap3A_776 = arith.index_cast %mul3A_425 : i32 to index
        %swap3A_777 = tpu.vector_load %arg8[%swap3A_774, %swap3A_775, %swap3A_776] {strides = array<i32>} : memref<19x8x128xf32, #tpu.memory_space<vmem>>, vector<16xf32>,
        tpu.vector_store %arg8[%swap3A_774, %swap3A_775, %swap3A_776], %mul3A_772 {strides = array<i32>} : memref<19x8x128xf32, #tpu.memory_space<vmem>>, vector<16xf32>,
        %mul3A_778 = arith.mulf %gather3A_660, %div3A_694 : vector<16xf32>
        %swap3A_779 = arith.constant 14 : i32
        %swap3A_780 = arith.index_cast %swap3A_779 : i32 to index
        %swap3A_781 = arith.index_cast %shift_right_arithmetic3A_421 : i32 to index
        %swap3A_782 = arith.index_cast %mul3A_425 : i32 to index
        %swap3A_783 = tpu.vector_load %arg8[%swap3A_780, %swap3A_781, %swap3A_782] {strides = array<i32>} : memref<19x8x128xf32, #tpu.memory_space<vmem>>, vector<16xf32>,
        tpu.vector_store %arg8[%swap3A_780, %swap3A_781, %swap3A_782], %mul3A_778 {strides = array<i32>} : memref<19x8x128xf32, #tpu.memory_space<vmem>>, vector<16xf32>,
        %mul3A_784 = arith.mulf %gather3A_667, %div3A_694 : vector<16xf32>
        %swap3A_785 = arith.constant 15 : i32
        %swap3A_786 = arith.index_cast %swap3A_785 : i32 to index
        %swap3A_787 = arith.index_cast %shift_right_arithmetic3A_421 : i32 to index
        %swap3A_788 = arith.index_cast %mul3A_425 : i32 to index
        %swap3A_789 = tpu.vector_load %arg8[%swap3A_786, %swap3A_787, %swap3A_788] {strides = array<i32>} : memref<19x8x128xf32, #tpu.memory_space<vmem>>, vector<16xf32>,
        tpu.vector_store %arg8[%swap3A_786, %swap3A_787, %swap3A_788], %mul3A_784 {strides = array<i32>} : memref<19x8x128xf32, #tpu.memory_space<vmem>>, vector<16xf32>,
        %mul3A_790 = arith.mulf %gather3A_674, %div3A_694 : vector<16xf32>
        %swap3A_791 = arith.constant 16 : i32
        %swap3A_792 = arith.index_cast %swap3A_791 : i32 to index
        %swap3A_793 = arith.index_cast %shift_right_arithmetic3A_421 : i32 to index
        %swap3A_794 = arith.index_cast %mul3A_425 : i32 to index
        %swap3A_795 = tpu.vector_load %arg8[%swap3A_792, %swap3A_793, %swap3A_794] {strides = array<i32>} : memref<19x8x128xf32, #tpu.memory_space<vmem>>, vector<16xf32>,
        tpu.vector_store %arg8[%swap3A_792, %swap3A_793, %swap3A_794], %mul3A_790 {strides = array<i32>} : memref<19x8x128xf32, #tpu.memory_space<vmem>>, vector<16xf32>,
        %mul3A_796 = arith.mulf %gather3A_681, %div3A_694 : vector<16xf32>
        %swap3A_797 = arith.constant 17 : i32
        %swap3A_798 = arith.index_cast %swap3A_797 : i32 to index
        %swap3A_799 = arith.index_cast %shift_right_arithmetic3A_421 : i32 to index
        %swap3A_800 = arith.index_cast %mul3A_425 : i32 to index
        %swap3A_801 = tpu.vector_load %arg8[%swap3A_798, %swap3A_799, %swap3A_800] {strides = array<i32>} : memref<19x8x128xf32, #tpu.memory_space<vmem>>, vector<16xf32>,
        tpu.vector_store %arg8[%swap3A_798, %swap3A_799, %swap3A_800], %mul3A_796 {strides = array<i32>} : memref<19x8x128xf32, #tpu.memory_space<vmem>>, vector<16xf32>,
        %mul3A_802 = arith.mulf %gather3A_688, %div3A_694 : vector<16xf32>
        %swap3A_803 = arith.constant 18 : i32
        %swap3A_804 = arith.index_cast %swap3A_803 : i32 to index
        %swap3A_805 = arith.index_cast %shift_right_arithmetic3A_421 : i32 to index
        %swap3A_806 = arith.index_cast %mul3A_425 : i32 to index
        %swap3A_807 = tpu.vector_load %arg8[%swap3A_804, %swap3A_805, %swap3A_806] {strides = array<i32>} : memref<19x8x128xf32, #tpu.memory_space<vmem>>, vector<16xf32>,
        tpu.vector_store %arg8[%swap3A_804, %swap3A_805, %swap3A_806], %mul3A_802 {strides = array<i32>} : memref<19x8x128xf32, #tpu.memory_space<vmem>>, vector<16xf32>,
      }
      %scan3A_213 = arith.constant 64 : i32
      %mul3A_214 = arith.constant 32 : i32
      %mul3A_215 = arith.muli %mul3A_102, %mul3A_214 : i32
      %add3A_216 = arith.addi %mul3A_215, %add3A : i32
      %jit3A_217 = arith.constant 256 : i32
      %div3A_218 = arith.divsi %add3A_216, %jit3A_217 : i32
      %sign3A_219 = arith.constant 0 : i32
      %sign3A_220 = arith.cmpi sgt, %add3A_216, %sign3A_219 : i32
      %sign3A_221 = arith.extui %sign3A_220 : i1 to i32
      %sign3A_222 = arith.constant 0 : i32
      %sign3A_223 = arith.cmpi slt, %add3A_216, %sign3A_222 : i32
      %sign3A_224 = arith.extui %sign3A_223 : i1 to i32
      %sign3A_225 = arith.subi %sign3A_221, %sign3A_224 : i32
      %sign3A_226 = arith.constant 0 : i32
      %sign3A_227 = arith.cmpi sgt, %jit3A_217, %sign3A_226 : i32
      %sign3A_228 = arith.extui %sign3A_227 : i1 to i32
      %sign3A_229 = arith.constant 0 : i32
      %sign3A_230 = arith.cmpi slt, %jit3A_217, %sign3A_229 : i32
      %sign3A_231 = arith.extui %sign3A_230 : i1 to i32
      %sign3A_232 = arith.subi %sign3A_228, %sign3A_231 : i32
      %ne3A_233 = arith.cmpi ne, %sign3A_225, %sign3A_232 : i32
      %rem3A_234 = arith.remsi %add3A_216, %jit3A_217 : i32
      %ne3A_235 = arith.constant 0 : i32
      %ne3A_236 = arith.cmpi ne, %rem3A_234, %ne3A_235 : i32
      %and3A_237 = arith.andi %ne3A_233, %ne3A_236 : i1
      %sub3A_238 = arith.constant 1 : i32
      %sub3A_239 = arith.subi %div3A_218, %sub3A_238 : i32
      %select_n3A_240 = arith.select %and3A_237, %sub3A_239, %div3A_218 : i32
      %jit3A_241 = arith.constant 256 : i32
      %eq3A_242 = arith.constant 0 : i32
      %eq3A_243 = arith.cmpi eq, %jit3A_241, %eq3A_242 : i32
      %jit3A_244 = arith.constant 1 : i32
      %select_n3A_245 = arith.select %eq3A_243, %jit3A_244, %jit3A_241 : i32
      %rem3A_246 = arith.remsi %add3A_216, %select_n3A_245 : i32
      %ne3A_247 = arith.constant 0 : i32
      %ne3A_248 = arith.cmpi ne, %rem3A_246, %ne3A_247 : i32
      %lt3A_249 = arith.constant 0 : i32
      %lt3A_250 = arith.cmpi slt, %rem3A_246, %lt3A_249 : i32
      %lt3A_251 = arith.constant 0 : i32
      %lt3A_252 = arith.cmpi slt, %select_n3A_245, %lt3A_251 : i32
      %ne3A_253 = arith.xori %lt3A_250, %lt3A_252 : i1
      %and3A_254 = arith.andi %ne3A_253, %ne3A_248 : i1
      %add3A_255 = arith.addi %rem3A_246, %select_n3A_245 : i32
      %select_n3A_256 = arith.select %and3A_254, %add3A_255, %rem3A_246 : i32
      %jit3A_257 = arith.constant 4 : i32
      %div3A_258 = arith.divsi %select_n3A_256, %jit3A_257 : i32
      %sign3A_259 = arith.constant 0 : i32
      %sign3A_260 = arith.cmpi sgt, %select_n3A_256, %sign3A_259 : i32
      %sign3A_261 = arith.extui %sign3A_260 : i1 to i32
      %sign3A_262 = arith.constant 0 : i32
      %sign3A_263 = arith.cmpi slt, %select_n3A_256, %sign3A_262 : i32
      %sign3A_264 = arith.extui %sign3A_263 : i1 to i32
      %sign3A_265 = arith.subi %sign3A_261, %sign3A_264 : i32
      %sign3A_266 = arith.constant 0 : i32
      %sign3A_267 = arith.cmpi sgt, %jit3A_257, %sign3A_266 : i32
      %sign3A_268 = arith.extui %sign3A_267 : i1 to i32
      %sign3A_269 = arith.constant 0 : i32
      %sign3A_270 = arith.cmpi slt, %jit3A_257, %sign3A_269 : i32
      %sign3A_271 = arith.extui %sign3A_270 : i1 to i32
      %sign3A_272 = arith.subi %sign3A_268, %sign3A_271 : i32
      %ne3A_273 = arith.cmpi ne, %sign3A_265, %sign3A_272 : i32
      %rem3A_274 = arith.remsi %select_n3A_256, %jit3A_257 : i32
      %ne3A_275 = arith.constant 0 : i32
      %ne3A_276 = arith.cmpi ne, %rem3A_274, %ne3A_275 : i32
      %and3A_277 = arith.andi %ne3A_273, %ne3A_276 : i1
      %sub3A_278 = arith.constant 1 : i32
      %sub3A_279 = arith.subi %div3A_258, %sub3A_278 : i32
      %select_n3A_280 = arith.select %and3A_277, %sub3A_279, %div3A_258 : i32
      %mul3A_281 = arith.constant 8 : i32
      %mul3A_282 = arith.muli %select_n3A_280, %mul3A_281 : i32
      %jit3A_283 = arith.constant 4 : i32
      %eq3A_284 = arith.constant 0 : i32
      %eq3A_285 = arith.cmpi eq, %jit3A_283, %eq3A_284 : i32
      %jit3A_286 = arith.constant 1 : i32
      %select_n3A_287 = arith.select %eq3A_285, %jit3A_286, %jit3A_283 : i32
      %rem3A_288 = arith.remsi %select_n3A_256, %select_n3A_287 : i32
      %ne3A_289 = arith.constant 0 : i32
      %ne3A_290 = arith.cmpi ne, %rem3A_288, %ne3A_289 : i32
      %lt3A_291 = arith.constant 0 : i32
      %lt3A_292 = arith.cmpi slt, %rem3A_288, %lt3A_291 : i32
      %lt3A_293 = arith.constant 0 : i32
      %lt3A_294 = arith.cmpi slt, %select_n3A_287, %lt3A_293 : i32
      %ne3A_295 = arith.xori %lt3A_292, %lt3A_294 : i1
      %and3A_296 = arith.andi %ne3A_295, %ne3A_290 : i1
      %add3A_297 = arith.addi %rem3A_288, %select_n3A_287 : i32
      %select_n3A_298 = arith.select %and3A_296, %add3A_297, %rem3A_288 : i32
      %mul3A_299 = arith.constant 128 : i32
      %mul3A_300 = arith.muli %select_n3A_298, %mul3A_299 : i32
      %mul3A_301 = arith.constant 19 : i32
      %mul3A_302 = arith.muli %select_n3A_240, %mul3A_301 : i32
      %dma_start3A_303 = tpu.memref_slice %arg4[%mul3A_302, %mul3A_282, %mul3A_300] : memref<152x512x512xf32, #tpu.memory_space<hbm>> -> memref<19x8x128xf32, #tpu.memory_space<hbm>>
      %dma_start3A_304 = tpu.memref_slice %arg4[%mul3A_302, %mul3A_282, %mul3A_300] : memref<152x512x512xf32, #tpu.memory_space<hbm>> -> memref<19x8x128xf32, #tpu.memory_space<hbm>>
      tpu.enqueue_dma source(%arg8 : memref<19x8x128xf32, #tpu.memory_space<vmem>>) target(%dma_start3A_304 : memref<19x8x128xf32, #tpu.memory_space<hbm>>) target_semaphore(%arg12 : memref<!tpu.dma_semaphore, #tpu.memory_space<semaphore_mem>>)
      %lt3A_305 = arith.constant 31 : i32
      %lt3A_306 = arith.cmpi slt, %scan3A_100, %lt3A_305 : i32
      %convert_element_type3A_307 = arith.extui %lt3A_306 : i1 to i32
      %cond3A_308 = arith.constant 0 : i32
      %cond3A_309 = arith.cmpi ne, %convert_element_type3A_307, %cond3A_308 : i32
      scf.if %cond3A_309 {
        %add3A_420 = arith.constant 1 : i32
        %add3A_421 = arith.addi %add3A_106, %add3A_420 : i32
        %mul3A_422 = arith.constant 32 : i32
        %mul3A_423 = arith.muli %add3A_421, %mul3A_422 : i32
        %add3A_424 = arith.addi %mul3A_423, %add3A : i32
        %jit3A_425 = arith.constant 256 : i32
        %div3A_426 = arith.divsi %add3A_424, %jit3A_425 : i32
        %sign3A_427 = arith.constant 0 : i32
        %sign3A_428 = arith.cmpi sgt, %add3A_424, %sign3A_427 : i32
        %sign3A_429 = arith.extui %sign3A_428 : i1 to i32
        %sign3A_430 = arith.constant 0 : i32
        %sign3A_431 = arith.cmpi slt, %add3A_424, %sign3A_430 : i32
        %sign3A_432 = arith.extui %sign3A_431 : i1 to i32
        %sign3A_433 = arith.subi %sign3A_429, %sign3A_432 : i32
        %sign3A_434 = arith.constant 0 : i32
        %sign3A_435 = arith.cmpi sgt, %jit3A_425, %sign3A_434 : i32
        %sign3A_436 = arith.extui %sign3A_435 : i1 to i32
        %sign3A_437 = arith.constant 0 : i32
        %sign3A_438 = arith.cmpi slt, %jit3A_425, %sign3A_437 : i32
        %sign3A_439 = arith.extui %sign3A_438 : i1 to i32
        %sign3A_440 = arith.subi %sign3A_436, %sign3A_439 : i32
        %ne3A_441 = arith.cmpi ne, %sign3A_433, %sign3A_440 : i32
        %rem3A_442 = arith.remsi %add3A_424, %jit3A_425 : i32
        %ne3A_443 = arith.constant 0 : i32
        %ne3A_444 = arith.cmpi ne, %rem3A_442, %ne3A_443 : i32
        %and3A_445 = arith.andi %ne3A_441, %ne3A_444 : i1
        %sub3A_446 = arith.constant 1 : i32
        %sub3A_447 = arith.subi %div3A_426, %sub3A_446 : i32
        %select_n3A_448 = arith.select %and3A_445, %sub3A_447, %div3A_426 : i32
        %jit3A_449 = arith.constant 256 : i32
        %eq3A_450 = arith.constant 0 : i32
        %eq3A_451 = arith.cmpi eq, %jit3A_449, %eq3A_450 : i32
        %jit3A_452 = arith.constant 1 : i32
        %select_n3A_453 = arith.select %eq3A_451, %jit3A_452, %jit3A_449 : i32
        %rem3A_454 = arith.remsi %add3A_424, %select_n3A_453 : i32
        %ne3A_455 = arith.constant 0 : i32
        %ne3A_456 = arith.cmpi ne, %rem3A_454, %ne3A_455 : i32
        %lt3A_457 = arith.constant 0 : i32
        %lt3A_458 = arith.cmpi slt, %rem3A_454, %lt3A_457 : i32
        %lt3A_459 = arith.constant 0 : i32
        %lt3A_460 = arith.cmpi slt, %select_n3A_453, %lt3A_459 : i32
        %ne3A_461 = arith.xori %lt3A_458, %lt3A_460 : i1
        %and3A_462 = arith.andi %ne3A_461, %ne3A_456 : i1
        %add3A_463 = arith.addi %rem3A_454, %select_n3A_453 : i32
        %select_n3A_464 = arith.select %and3A_462, %add3A_463, %rem3A_454 : i32
        %jit3A_465 = arith.constant 4 : i32
        %div3A_466 = arith.divsi %select_n3A_464, %jit3A_465 : i32
        %sign3A_467 = arith.constant 0 : i32
        %sign3A_468 = arith.cmpi sgt, %select_n3A_464, %sign3A_467 : i32
        %sign3A_469 = arith.extui %sign3A_468 : i1 to i32
        %sign3A_470 = arith.constant 0 : i32
        %sign3A_471 = arith.cmpi slt, %select_n3A_464, %sign3A_470 : i32
        %sign3A_472 = arith.extui %sign3A_471 : i1 to i32
        %sign3A_473 = arith.subi %sign3A_469, %sign3A_472 : i32
        %sign3A_474 = arith.constant 0 : i32
        %sign3A_475 = arith.cmpi sgt, %jit3A_465, %sign3A_474 : i32
        %sign3A_476 = arith.extui %sign3A_475 : i1 to i32
        %sign3A_477 = arith.constant 0 : i32
        %sign3A_478 = arith.cmpi slt, %jit3A_465, %sign3A_477 : i32
        %sign3A_479 = arith.extui %sign3A_478 : i1 to i32
        %sign3A_480 = arith.subi %sign3A_476, %sign3A_479 : i32
        %ne3A_481 = arith.cmpi ne, %sign3A_473, %sign3A_480 : i32
        %rem3A_482 = arith.remsi %select_n3A_464, %jit3A_465 : i32
        %ne3A_483 = arith.constant 0 : i32
        %ne3A_484 = arith.cmpi ne, %rem3A_482, %ne3A_483 : i32
        %and3A_485 = arith.andi %ne3A_481, %ne3A_484 : i1
        %sub3A_486 = arith.constant 1 : i32
        %sub3A_487 = arith.subi %div3A_466, %sub3A_486 : i32
        %select_n3A_488 = arith.select %and3A_485, %sub3A_487, %div3A_466 : i32
        %mul3A_489 = arith.constant 8 : i32
        %mul3A_490 = arith.muli %select_n3A_488, %mul3A_489 : i32
        %jit3A_491 = arith.constant 4 : i32
        %eq3A_492 = arith.constant 0 : i32
        %eq3A_493 = arith.cmpi eq, %jit3A_491, %eq3A_492 : i32
        %jit3A_494 = arith.constant 1 : i32
        %select_n3A_495 = arith.select %eq3A_493, %jit3A_494, %jit3A_491 : i32
        %rem3A_496 = arith.remsi %select_n3A_464, %select_n3A_495 : i32
        %ne3A_497 = arith.constant 0 : i32
        %ne3A_498 = arith.cmpi ne, %rem3A_496, %ne3A_497 : i32
        %lt3A_499 = arith.constant 0 : i32
        %lt3A_500 = arith.cmpi slt, %rem3A_496, %lt3A_499 : i32
        %lt3A_501 = arith.constant 0 : i32
        %lt3A_502 = arith.cmpi slt, %select_n3A_495, %lt3A_501 : i32
        %ne3A_503 = arith.xori %lt3A_500, %lt3A_502 : i1
        %and3A_504 = arith.andi %ne3A_503, %ne3A_498 : i1
        %add3A_505 = arith.addi %rem3A_496, %select_n3A_495 : i32
        %select_n3A_506 = arith.select %and3A_504, %add3A_505, %rem3A_496 : i32
        %mul3A_507 = arith.constant 128 : i32
        %mul3A_508 = arith.muli %select_n3A_506, %mul3A_507 : i32
        %mul3A_509 = arith.constant 19 : i32
        %mul3A_510 = arith.muli %select_n3A_448, %mul3A_509 : i32
        %dma_start3A_511 = tpu.memref_slice %arg2[%mul3A_510, %mul3A_490, %mul3A_508] : memref<152x512x512xf32, #tpu.memory_space<hbm>> -> memref<19x8x128xf32, #tpu.memory_space<hbm>>
        %dma_start3A_512 = tpu.memref_slice %arg2[%mul3A_510, %mul3A_490, %mul3A_508] : memref<152x512x512xf32, #tpu.memory_space<hbm>> -> memref<19x8x128xf32, #tpu.memory_space<hbm>>
        tpu.enqueue_dma source(%dma_start3A_512 : memref<19x8x128xf32, #tpu.memory_space<hbm>>) target(%arg6 : memref<19x8x128xf32, #tpu.memory_space<vmem>>) target_semaphore(%arg10 : memref<!tpu.dma_semaphore, #tpu.memory_space<semaphore_mem>>)
      } else {
      }
      %dma_wait3A_310 = arith.constant 0 : i32
      %dma_wait3A_311 = arith.constant 0 : i32
      %dma_wait3A_312 = arith.constant 0 : i32
      %dma_wait3A_313 = tpu.memref_slice %arg2[%dma_wait3A_310, %dma_wait3A_311, %dma_wait3A_312] : memref<152x512x512xf32, #tpu.memory_space<hbm>> -> memref<19x8x128xf32, #tpu.memory_space<hbm>>
      %dma_wait3A_314 = arith.constant 0 : i32
      %dma_wait3A_315 = arith.constant 0 : i32
      %dma_wait3A_316 = arith.constant 0 : i32
      %dma_wait3A_317 = tpu.memref_slice %arg2[%dma_wait3A_314, %dma_wait3A_315, %dma_wait3A_316] : memref<152x512x512xf32, #tpu.memory_space<hbm>> -> memref<19x8x128xf32, #tpu.memory_space<hbm>>
      tpu.wait_dma2 semaphore(%arg11 : memref<!tpu.dma_semaphore, #tpu.memory_space<semaphore_mem>>) src(%dma_wait3A_317 : memref<19x8x128xf32, #tpu.memory_space<hbm>>) dst(%arg7 : memref<19x8x128xf32, #tpu.memory_space<vmem>>)
      %gt3A_318 = arith.constant 0 : i32
      %gt3A_319 = arith.cmpi sgt, %scan3A_100, %gt3A_318 : i32
      %convert_element_type3A_320 = arith.extui %gt3A_319 : i1 to i32
      %cond3A_321 = arith.constant 0 : i32
      %cond3A_322 = arith.cmpi ne, %convert_element_type3A_320, %cond3A_321 : i32
      scf.if %cond3A_322 {
        %dma_wait3A_420 = arith.constant 0 : i32
        %dma_wait3A_421 = arith.constant 0 : i32
        %dma_wait3A_422 = arith.constant 0 : i32
        %dma_wait3A_423 = tpu.memref_slice %arg4[%dma_wait3A_420, %dma_wait3A_421, %dma_wait3A_422] : memref<152x512x512xf32, #tpu.memory_space<hbm>> -> memref<19x8x128xf32, #tpu.memory_space<hbm>>
        %dma_wait3A_424 = arith.constant 0 : i32
        %dma_wait3A_425 = arith.constant 0 : i32
        %dma_wait3A_426 = arith.constant 0 : i32
        %dma_wait3A_427 = tpu.memref_slice %arg4[%dma_wait3A_424, %dma_wait3A_425, %dma_wait3A_426] : memref<152x512x512xf32, #tpu.memory_space<hbm>> -> memref<19x8x128xf32, #tpu.memory_space<hbm>>
        tpu.wait_dma2 semaphore(%arg13 : memref<!tpu.dma_semaphore, #tpu.memory_space<semaphore_mem>>) src(%arg9 : memref<19x8x128xf32, #tpu.memory_space<vmem>>) dst(%dma_wait3A_427 : memref<19x8x128xf32, #tpu.memory_space<hbm>>)
      } else {
      }
      %scan3A_323 = arith.constant 0 : i32
      %scan3A_324 = arith.constant 0 : i32
      %scan3A_325 = arith.constant 64 : i32
      %scan3A_326 = arith.addi %scan3A_324, %scan3A_325 : i32
      %scan3A_327 = arith.constant 1 : i32
      scf.for %scan3A_420 = %scan3A_324 to %scan3A_326 step %scan3A_327  : i32 {
        %shift_right_arithmetic3A = arith.constant 3 : i32
        %shift_right_arithmetic3A_421 = arith.shrsi %scan3A_420, %shift_right_arithmetic3A : i32
        %and3A_422 = arith.constant 7 : i32
        %and3A_423 = arith.andi %scan3A_420, %and3A_422 : i32
        %mul3A_424 = arith.constant 16 : i32
        %mul3A_425 = arith.muli %and3A_423, %mul3A_424 : i32
        %get3A = arith.constant 0 : i32
        %get3A_426 = arith.index_cast %get3A : i32 to index
        %get3A_427 = arith.index_cast %shift_right_arithmetic3A_421 : i32 to index
        %get3A_428 = arith.index_cast %mul3A_425 : i32 to index
        %get3A_429 = tpu.vector_load %arg7[%get3A_426, %get3A_427, %get3A_428] {strides = array<i32>} : memref<19x8x128xf32, #tpu.memory_space<vmem>>, vector<16xf32>,
        %exp3A = math.exp %get3A_429 : vector<16xf32>
        %get3A_430 = arith.constant 1 : i32
        %get3A_431 = arith.index_cast %get3A_430 : i32 to index
        %get3A_432 = arith.index_cast %shift_right_arithmetic3A_421 : i32 to index
        %get3A_433 = arith.index_cast %mul3A_425 : i32 to index
        %get3A_434 = tpu.vector_load %arg7[%get3A_431, %get3A_432, %get3A_433] {strides = array<i32>} : memref<19x8x128xf32, #tpu.memory_space<vmem>>, vector<16xf32>,
        %exp3A_435 = math.exp %get3A_434 : vector<16xf32>
        %get3A_436 = arith.constant 2 : i32
        %get3A_437 = arith.index_cast %get3A_436 : i32 to index
        %get3A_438 = arith.index_cast %shift_right_arithmetic3A_421 : i32 to index
        %get3A_439 = arith.index_cast %mul3A_425 : i32 to index
        %get3A_440 = tpu.vector_load %arg7[%get3A_437, %get3A_438, %get3A_439] {strides = array<i32>} : memref<19x8x128xf32, #tpu.memory_space<vmem>>, vector<16xf32>,
        %exp3A_441 = math.exp %get3A_440 : vector<16xf32>
        %get3A_442 = arith.constant 3 : i32
        %get3A_443 = arith.index_cast %get3A_442 : i32 to index
        %get3A_444 = arith.index_cast %shift_right_arithmetic3A_421 : i32 to index
        %get3A_445 = arith.index_cast %mul3A_425 : i32 to index
        %get3A_446 = tpu.vector_load %arg7[%get3A_443, %get3A_444, %get3A_445] {strides = array<i32>} : memref<19x8x128xf32, #tpu.memory_space<vmem>>, vector<16xf32>,
        %exp3A_447 = math.exp %get3A_446 : vector<16xf32>
        %get3A_448 = arith.constant 4 : i32
        %get3A_449 = arith.index_cast %get3A_448 : i32 to index
        %get3A_450 = arith.index_cast %shift_right_arithmetic3A_421 : i32 to index
        %get3A_451 = arith.index_cast %mul3A_425 : i32 to index
        %get3A_452 = tpu.vector_load %arg7[%get3A_449, %get3A_450, %get3A_451] {strides = array<i32>} : memref<19x8x128xf32, #tpu.memory_space<vmem>>, vector<16xf32>,
        %exp3A_453 = math.exp %get3A_452 : vector<16xf32>
        %get3A_454 = arith.constant 5 : i32
        %get3A_455 = arith.index_cast %get3A_454 : i32 to index
        %get3A_456 = arith.index_cast %shift_right_arithmetic3A_421 : i32 to index
        %get3A_457 = arith.index_cast %mul3A_425 : i32 to index
        %get3A_458 = tpu.vector_load %arg7[%get3A_455, %get3A_456, %get3A_457] {strides = array<i32>} : memref<19x8x128xf32, #tpu.memory_space<vmem>>, vector<16xf32>,
        %exp3A_459 = math.exp %get3A_458 : vector<16xf32>
        %get3A_460 = arith.constant 6 : i32
        %get3A_461 = arith.index_cast %get3A_460 : i32 to index
        %get3A_462 = arith.index_cast %shift_right_arithmetic3A_421 : i32 to index
        %get3A_463 = arith.index_cast %mul3A_425 : i32 to index
        %get3A_464 = tpu.vector_load %arg7[%get3A_461, %get3A_462, %get3A_463] {strides = array<i32>} : memref<19x8x128xf32, #tpu.memory_space<vmem>>, vector<16xf32>,
        %exp3A_465 = math.exp %get3A_464 : vector<16xf32>
        %get3A_466 = arith.constant 7 : i32
        %get3A_467 = arith.index_cast %get3A_466 : i32 to index
        %get3A_468 = arith.index_cast %shift_right_arithmetic3A_421 : i32 to index
        %get3A_469 = arith.index_cast %mul3A_425 : i32 to index
        %get3A_470 = tpu.vector_load %arg7[%get3A_467, %get3A_468, %get3A_469] {strides = array<i32>} : memref<19x8x128xf32, #tpu.memory_space<vmem>>, vector<16xf32>,
        %exp3A_471 = math.exp %get3A_470 : vector<16xf32>
        %get3A_472 = arith.constant 8 : i32
        %get3A_473 = arith.index_cast %get3A_472 : i32 to index
        %get3A_474 = arith.index_cast %shift_right_arithmetic3A_421 : i32 to index
        %get3A_475 = arith.index_cast %mul3A_425 : i32 to index
        %get3A_476 = tpu.vector_load %arg7[%get3A_473, %get3A_474, %get3A_475] {strides = array<i32>} : memref<19x8x128xf32, #tpu.memory_space<vmem>>, vector<16xf32>,
        %exp3A_477 = math.exp %get3A_476 : vector<16xf32>
        %get3A_478 = arith.constant 9 : i32
        %get3A_479 = arith.index_cast %get3A_478 : i32 to index
        %get3A_480 = arith.index_cast %shift_right_arithmetic3A_421 : i32 to index
        %get3A_481 = arith.index_cast %mul3A_425 : i32 to index
        %get3A_482 = tpu.vector_load %arg7[%get3A_479, %get3A_480, %get3A_481] {strides = array<i32>} : memref<19x8x128xf32, #tpu.memory_space<vmem>>, vector<16xf32>,
        %exp3A_483 = math.exp %get3A_482 : vector<16xf32>
        %get3A_484 = arith.constant 10 : i32
        %get3A_485 = arith.index_cast %get3A_484 : i32 to index
        %get3A_486 = arith.index_cast %shift_right_arithmetic3A_421 : i32 to index
        %get3A_487 = arith.index_cast %mul3A_425 : i32 to index
        %get3A_488 = tpu.vector_load %arg7[%get3A_485, %get3A_486, %get3A_487] {strides = array<i32>} : memref<19x8x128xf32, #tpu.memory_space<vmem>>, vector<16xf32>,
        %exp3A_489 = math.exp %get3A_488 : vector<16xf32>
        %get3A_490 = arith.constant 11 : i32
        %get3A_491 = arith.index_cast %get3A_490 : i32 to index
        %get3A_492 = arith.index_cast %shift_right_arithmetic3A_421 : i32 to index
        %get3A_493 = arith.index_cast %mul3A_425 : i32 to index
        %get3A_494 = tpu.vector_load %arg7[%get3A_491, %get3A_492, %get3A_493] {strides = array<i32>} : memref<19x8x128xf32, #tpu.memory_space<vmem>>, vector<16xf32>,
        %exp3A_495 = math.exp %get3A_494 : vector<16xf32>
        %get3A_496 = arith.constant 12 : i32
        %get3A_497 = arith.index_cast %get3A_496 : i32 to index
        %get3A_498 = arith.index_cast %shift_right_arithmetic3A_421 : i32 to index
        %get3A_499 = arith.index_cast %mul3A_425 : i32 to index
        %get3A_500 = tpu.vector_load %arg7[%get3A_497, %get3A_498, %get3A_499] {strides = array<i32>} : memref<19x8x128xf32, #tpu.memory_space<vmem>>, vector<16xf32>,
        %exp3A_501 = math.exp %get3A_500 : vector<16xf32>
        %get3A_502 = arith.constant 13 : i32
        %get3A_503 = arith.index_cast %get3A_502 : i32 to index
        %get3A_504 = arith.index_cast %shift_right_arithmetic3A_421 : i32 to index
        %get3A_505 = arith.index_cast %mul3A_425 : i32 to index
        %get3A_506 = tpu.vector_load %arg7[%get3A_503, %get3A_504, %get3A_505] {strides = array<i32>} : memref<19x8x128xf32, #tpu.memory_space<vmem>>, vector<16xf32>,
        %exp3A_507 = math.exp %get3A_506 : vector<16xf32>
        %get3A_508 = arith.constant 14 : i32
        %get3A_509 = arith.index_cast %get3A_508 : i32 to index
        %get3A_510 = arith.index_cast %shift_right_arithmetic3A_421 : i32 to index
        %get3A_511 = arith.index_cast %mul3A_425 : i32 to index
        %get3A_512 = tpu.vector_load %arg7[%get3A_509, %get3A_510, %get3A_511] {strides = array<i32>} : memref<19x8x128xf32, #tpu.memory_space<vmem>>, vector<16xf32>,
        %exp3A_513 = math.exp %get3A_512 : vector<16xf32>
        %get3A_514 = arith.constant 15 : i32
        %get3A_515 = arith.index_cast %get3A_514 : i32 to index
        %get3A_516 = arith.index_cast %shift_right_arithmetic3A_421 : i32 to index
        %get3A_517 = arith.index_cast %mul3A_425 : i32 to index
        %get3A_518 = tpu.vector_load %arg7[%get3A_515, %get3A_516, %get3A_517] {strides = array<i32>} : memref<19x8x128xf32, #tpu.memory_space<vmem>>, vector<16xf32>,
        %exp3A_519 = math.exp %get3A_518 : vector<16xf32>
        %get3A_520 = arith.constant 16 : i32
        %get3A_521 = arith.index_cast %get3A_520 : i32 to index
        %get3A_522 = arith.index_cast %shift_right_arithmetic3A_421 : i32 to index
        %get3A_523 = arith.index_cast %mul3A_425 : i32 to index
        %get3A_524 = tpu.vector_load %arg7[%get3A_521, %get3A_522, %get3A_523] {strides = array<i32>} : memref<19x8x128xf32, #tpu.memory_space<vmem>>, vector<16xf32>,
        %exp3A_525 = math.exp %get3A_524 : vector<16xf32>
        %get3A_526 = arith.constant 17 : i32
        %get3A_527 = arith.index_cast %get3A_526 : i32 to index
        %get3A_528 = arith.index_cast %shift_right_arithmetic3A_421 : i32 to index
        %get3A_529 = arith.index_cast %mul3A_425 : i32 to index
        %get3A_530 = tpu.vector_load %arg7[%get3A_527, %get3A_528, %get3A_529] {strides = array<i32>} : memref<19x8x128xf32, #tpu.memory_space<vmem>>, vector<16xf32>,
        %exp3A_531 = math.exp %get3A_530 : vector<16xf32>
        %get3A_532 = arith.constant 18 : i32
        %get3A_533 = arith.index_cast %get3A_532 : i32 to index
        %get3A_534 = arith.index_cast %shift_right_arithmetic3A_421 : i32 to index
        %get3A_535 = arith.index_cast %mul3A_425 : i32 to index
        %get3A_536 = tpu.vector_load %arg7[%get3A_533, %get3A_534, %get3A_535] {strides = array<i32>} : memref<19x8x128xf32, #tpu.memory_space<vmem>>, vector<16xf32>,
        %exp3A_537 = math.exp %get3A_536 : vector<16xf32>
        %add3A_538 = arith.addf %exp3A, %exp3A_435 : vector<16xf32>
        %add3A_539 = arith.addf %add3A_538, %exp3A_441 : vector<16xf32>
        %add3A_540 = arith.addf %add3A_539, %exp3A_447 : vector<16xf32>
        %add3A_541 = arith.addf %add3A_540, %exp3A_453 : vector<16xf32>
        %add3A_542 = arith.addf %add3A_541, %exp3A_459 : vector<16xf32>
        %add3A_543 = arith.addf %add3A_542, %exp3A_465 : vector<16xf32>
        %add3A_544 = arith.addf %add3A_543, %exp3A_471 : vector<16xf32>
        %add3A_545 = arith.addf %add3A_544, %exp3A_477 : vector<16xf32>
        %add3A_546 = arith.addf %add3A_545, %exp3A_483 : vector<16xf32>
        %add3A_547 = arith.addf %add3A_546, %exp3A_489 : vector<16xf32>
        %add3A_548 = arith.addf %add3A_547, %exp3A_495 : vector<16xf32>
        %add3A_549 = arith.addf %add3A_548, %exp3A_501 : vector<16xf32>
        %add3A_550 = arith.addf %add3A_549, %exp3A_507 : vector<16xf32>
        %add3A_551 = arith.addf %add3A_550, %exp3A_513 : vector<16xf32>
        %add3A_552 = arith.addf %add3A_551, %exp3A_519 : vector<16xf32>
        %add3A_553 = arith.addf %add3A_552, %exp3A_525 : vector<16xf32>
        %add3A_554 = arith.addf %add3A_553, %exp3A_531 : vector<16xf32>
        %add3A_555 = arith.addf %add3A_554, %exp3A_537 : vector<16xf32>
        %div3A_556 = arith.constant 1.500000e+01 : f32
        %div3A_557 = vector.broadcast %div3A_556 : f32 to vector<16xf32>
        %div3A_558 = arith.divf %div3A_557, %add3A_555 : vector<16xf32>
        %mul3A_559 = arith.mulf %exp3A, %div3A_558 : vector<16xf32>
        %convert_element_type3A_560 = arith.fptosi %mul3A_559 : vector<16xf32> to vector<16xi32>
        %add3A_561 = arith.constant 0 : i32
        %add3A_562 = vector.broadcast %add3A_561 : i32 to vector<16xi32>
        %add3A_563 = arith.addi %convert_element_type3A_560, %add3A_562 : vector<16xi32>
        %gather3A = tpu.vector_load_idx %arg5[%add3A_563] : memref<304xf32, #tpu.memory_space<vmem>>[vector<16xi32>], vector<16xf32>,
        %mul3A_564 = arith.mulf %exp3A_435, %div3A_558 : vector<16xf32>
        %convert_element_type3A_565 = arith.fptosi %mul3A_564 : vector<16xf32> to vector<16xi32>
        %add3A_566 = arith.constant 16 : i32
        %add3A_567 = vector.broadcast %add3A_566 : i32 to vector<16xi32>
        %add3A_568 = arith.addi %convert_element_type3A_565, %add3A_567 : vector<16xi32>
        %gather3A_569 = tpu.vector_load_idx %arg5[%add3A_568] : memref<304xf32, #tpu.memory_space<vmem>>[vector<16xi32>], vector<16xf32>,
        %add3A_570 = arith.addf %gather3A, %gather3A_569 : vector<16xf32>
        %mul3A_571 = arith.mulf %exp3A_441, %div3A_558 : vector<16xf32>
        %convert_element_type3A_572 = arith.fptosi %mul3A_571 : vector<16xf32> to vector<16xi32>
        %add3A_573 = arith.constant 32 : i32
        %add3A_574 = vector.broadcast %add3A_573 : i32 to vector<16xi32>
        %add3A_575 = arith.addi %convert_element_type3A_572, %add3A_574 : vector<16xi32>
        %gather3A_576 = tpu.vector_load_idx %arg5[%add3A_575] : memref<304xf32, #tpu.memory_space<vmem>>[vector<16xi32>], vector<16xf32>,
        %add3A_577 = arith.addf %add3A_570, %gather3A_576 : vector<16xf32>
        %mul3A_578 = arith.mulf %exp3A_447, %div3A_558 : vector<16xf32>
        %convert_element_type3A_579 = arith.fptosi %mul3A_578 : vector<16xf32> to vector<16xi32>
        %add3A_580 = arith.constant 48 : i32
        %add3A_581 = vector.broadcast %add3A_580 : i32 to vector<16xi32>
        %add3A_582 = arith.addi %convert_element_type3A_579, %add3A_581 : vector<16xi32>
        %gather3A_583 = tpu.vector_load_idx %arg5[%add3A_582] : memref<304xf32, #tpu.memory_space<vmem>>[vector<16xi32>], vector<16xf32>,
        %add3A_584 = arith.addf %add3A_577, %gather3A_583 : vector<16xf32>
        %mul3A_585 = arith.mulf %exp3A_453, %div3A_558 : vector<16xf32>
        %convert_element_type3A_586 = arith.fptosi %mul3A_585 : vector<16xf32> to vector<16xi32>
        %add3A_587 = arith.constant 64 : i32
        %add3A_588 = vector.broadcast %add3A_587 : i32 to vector<16xi32>
        %add3A_589 = arith.addi %convert_element_type3A_586, %add3A_588 : vector<16xi32>
        %gather3A_590 = tpu.vector_load_idx %arg5[%add3A_589] : memref<304xf32, #tpu.memory_space<vmem>>[vector<16xi32>], vector<16xf32>,
        %add3A_591 = arith.addf %add3A_584, %gather3A_590 : vector<16xf32>
        %mul3A_592 = arith.mulf %exp3A_459, %div3A_558 : vector<16xf32>
        %convert_element_type3A_593 = arith.fptosi %mul3A_592 : vector<16xf32> to vector<16xi32>
        %add3A_594 = arith.constant 80 : i32
        %add3A_595 = vector.broadcast %add3A_594 : i32 to vector<16xi32>
        %add3A_596 = arith.addi %convert_element_type3A_593, %add3A_595 : vector<16xi32>
        %gather3A_597 = tpu.vector_load_idx %arg5[%add3A_596] : memref<304xf32, #tpu.memory_space<vmem>>[vector<16xi32>], vector<16xf32>,
        %add3A_598 = arith.addf %add3A_591, %gather3A_597 : vector<16xf32>
        %mul3A_599 = arith.mulf %exp3A_465, %div3A_558 : vector<16xf32>
        %convert_element_type3A_600 = arith.fptosi %mul3A_599 : vector<16xf32> to vector<16xi32>
        %add3A_601 = arith.constant 96 : i32
        %add3A_602 = vector.broadcast %add3A_601 : i32 to vector<16xi32>
        %add3A_603 = arith.addi %convert_element_type3A_600, %add3A_602 : vector<16xi32>
        %gather3A_604 = tpu.vector_load_idx %arg5[%add3A_603] : memref<304xf32, #tpu.memory_space<vmem>>[vector<16xi32>], vector<16xf32>,
        %add3A_605 = arith.addf %add3A_598, %gather3A_604 : vector<16xf32>
        %mul3A_606 = arith.mulf %exp3A_471, %div3A_558 : vector<16xf32>
        %convert_element_type3A_607 = arith.fptosi %mul3A_606 : vector<16xf32> to vector<16xi32>
        %add3A_608 = arith.constant 112 : i32
        %add3A_609 = vector.broadcast %add3A_608 : i32 to vector<16xi32>
        %add3A_610 = arith.addi %convert_element_type3A_607, %add3A_609 : vector<16xi32>
        %gather3A_611 = tpu.vector_load_idx %arg5[%add3A_610] : memref<304xf32, #tpu.memory_space<vmem>>[vector<16xi32>], vector<16xf32>,
        %add3A_612 = arith.addf %add3A_605, %gather3A_611 : vector<16xf32>
        %mul3A_613 = arith.mulf %exp3A_477, %div3A_558 : vector<16xf32>
        %convert_element_type3A_614 = arith.fptosi %mul3A_613 : vector<16xf32> to vector<16xi32>
        %add3A_615 = arith.constant 128 : i32
        %add3A_616 = vector.broadcast %add3A_615 : i32 to vector<16xi32>
        %add3A_617 = arith.addi %convert_element_type3A_614, %add3A_616 : vector<16xi32>
        %gather3A_618 = tpu.vector_load_idx %arg5[%add3A_617] : memref<304xf32, #tpu.memory_space<vmem>>[vector<16xi32>], vector<16xf32>,
        %add3A_619 = arith.addf %add3A_612, %gather3A_618 : vector<16xf32>
        %mul3A_620 = arith.mulf %exp3A_483, %div3A_558 : vector<16xf32>
        %convert_element_type3A_621 = arith.fptosi %mul3A_620 : vector<16xf32> to vector<16xi32>
        %add3A_622 = arith.constant 144 : i32
        %add3A_623 = vector.broadcast %add3A_622 : i32 to vector<16xi32>
        %add3A_624 = arith.addi %convert_element_type3A_621, %add3A_623 : vector<16xi32>
        %gather3A_625 = tpu.vector_load_idx %arg5[%add3A_624] : memref<304xf32, #tpu.memory_space<vmem>>[vector<16xi32>], vector<16xf32>,
        %add3A_626 = arith.addf %add3A_619, %gather3A_625 : vector<16xf32>
        %mul3A_627 = arith.mulf %exp3A_489, %div3A_558 : vector<16xf32>
        %convert_element_type3A_628 = arith.fptosi %mul3A_627 : vector<16xf32> to vector<16xi32>
        %add3A_629 = arith.constant 160 : i32
        %add3A_630 = vector.broadcast %add3A_629 : i32 to vector<16xi32>
        %add3A_631 = arith.addi %convert_element_type3A_628, %add3A_630 : vector<16xi32>
        %gather3A_632 = tpu.vector_load_idx %arg5[%add3A_631] : memref<304xf32, #tpu.memory_space<vmem>>[vector<16xi32>], vector<16xf32>,
        %add3A_633 = arith.addf %add3A_626, %gather3A_632 : vector<16xf32>
        %mul3A_634 = arith.mulf %exp3A_495, %div3A_558 : vector<16xf32>
        %convert_element_type3A_635 = arith.fptosi %mul3A_634 : vector<16xf32> to vector<16xi32>
        %add3A_636 = arith.constant 176 : i32
        %add3A_637 = vector.broadcast %add3A_636 : i32 to vector<16xi32>
        %add3A_638 = arith.addi %convert_element_type3A_635, %add3A_637 : vector<16xi32>
        %gather3A_639 = tpu.vector_load_idx %arg5[%add3A_638] : memref<304xf32, #tpu.memory_space<vmem>>[vector<16xi32>], vector<16xf32>,
        %add3A_640 = arith.addf %add3A_633, %gather3A_639 : vector<16xf32>
        %mul3A_641 = arith.mulf %exp3A_501, %div3A_558 : vector<16xf32>
        %convert_element_type3A_642 = arith.fptosi %mul3A_641 : vector<16xf32> to vector<16xi32>
        %add3A_643 = arith.constant 192 : i32
        %add3A_644 = vector.broadcast %add3A_643 : i32 to vector<16xi32>
        %add3A_645 = arith.addi %convert_element_type3A_642, %add3A_644 : vector<16xi32>
        %gather3A_646 = tpu.vector_load_idx %arg5[%add3A_645] : memref<304xf32, #tpu.memory_space<vmem>>[vector<16xi32>], vector<16xf32>,
        %add3A_647 = arith.addf %add3A_640, %gather3A_646 : vector<16xf32>
        %mul3A_648 = arith.mulf %exp3A_507, %div3A_558 : vector<16xf32>
        %convert_element_type3A_649 = arith.fptosi %mul3A_648 : vector<16xf32> to vector<16xi32>
        %add3A_650 = arith.constant 208 : i32
        %add3A_651 = vector.broadcast %add3A_650 : i32 to vector<16xi32>
        %add3A_652 = arith.addi %convert_element_type3A_649, %add3A_651 : vector<16xi32>
        %gather3A_653 = tpu.vector_load_idx %arg5[%add3A_652] : memref<304xf32, #tpu.memory_space<vmem>>[vector<16xi32>], vector<16xf32>,
        %add3A_654 = arith.addf %add3A_647, %gather3A_653 : vector<16xf32>
        %mul3A_655 = arith.mulf %exp3A_513, %div3A_558 : vector<16xf32>
        %convert_element_type3A_656 = arith.fptosi %mul3A_655 : vector<16xf32> to vector<16xi32>
        %add3A_657 = arith.constant 224 : i32
        %add3A_658 = vector.broadcast %add3A_657 : i32 to vector<16xi32>
        %add3A_659 = arith.addi %convert_element_type3A_656, %add3A_658 : vector<16xi32>
        %gather3A_660 = tpu.vector_load_idx %arg5[%add3A_659] : memref<304xf32, #tpu.memory_space<vmem>>[vector<16xi32>], vector<16xf32>,
        %add3A_661 = arith.addf %add3A_654, %gather3A_660 : vector<16xf32>
        %mul3A_662 = arith.mulf %exp3A_519, %div3A_558 : vector<16xf32>
        %convert_element_type3A_663 = arith.fptosi %mul3A_662 : vector<16xf32> to vector<16xi32>
        %add3A_664 = arith.constant 240 : i32
        %add3A_665 = vector.broadcast %add3A_664 : i32 to vector<16xi32>
        %add3A_666 = arith.addi %convert_element_type3A_663, %add3A_665 : vector<16xi32>
        %gather3A_667 = tpu.vector_load_idx %arg5[%add3A_666] : memref<304xf32, #tpu.memory_space<vmem>>[vector<16xi32>], vector<16xf32>,
        %add3A_668 = arith.addf %add3A_661, %gather3A_667 : vector<16xf32>
        %mul3A_669 = arith.mulf %exp3A_525, %div3A_558 : vector<16xf32>
        %convert_element_type3A_670 = arith.fptosi %mul3A_669 : vector<16xf32> to vector<16xi32>
        %add3A_671 = arith.constant 256 : i32
        %add3A_672 = vector.broadcast %add3A_671 : i32 to vector<16xi32>
        %add3A_673 = arith.addi %convert_element_type3A_670, %add3A_672 : vector<16xi32>
        %gather3A_674 = tpu.vector_load_idx %arg5[%add3A_673] : memref<304xf32, #tpu.memory_space<vmem>>[vector<16xi32>], vector<16xf32>,
        %add3A_675 = arith.addf %add3A_668, %gather3A_674 : vector<16xf32>
        %mul3A_676 = arith.mulf %exp3A_531, %div3A_558 : vector<16xf32>
        %convert_element_type3A_677 = arith.fptosi %mul3A_676 : vector<16xf32> to vector<16xi32>
        %add3A_678 = arith.constant 272 : i32
        %add3A_679 = vector.broadcast %add3A_678 : i32 to vector<16xi32>
        %add3A_680 = arith.addi %convert_element_type3A_677, %add3A_679 : vector<16xi32>
        %gather3A_681 = tpu.vector_load_idx %arg5[%add3A_680] : memref<304xf32, #tpu.memory_space<vmem>>[vector<16xi32>], vector<16xf32>,
        %add3A_682 = arith.addf %add3A_675, %gather3A_681 : vector<16xf32>
        %mul3A_683 = arith.mulf %exp3A_537, %div3A_558 : vector<16xf32>
        %convert_element_type3A_684 = arith.fptosi %mul3A_683 : vector<16xf32> to vector<16xi32>
        %add3A_685 = arith.constant 288 : i32
        %add3A_686 = vector.broadcast %add3A_685 : i32 to vector<16xi32>
        %add3A_687 = arith.addi %convert_element_type3A_684, %add3A_686 : vector<16xi32>
        %gather3A_688 = tpu.vector_load_idx %arg5[%add3A_687] : memref<304xf32, #tpu.memory_space<vmem>>[vector<16xi32>], vector<16xf32>,
        %add3A_689 = arith.addf %add3A_682, %gather3A_688 : vector<16xf32>
        %max3A = arith.constant 1.000000e-35 : f32
        %max3A_690 = vector.broadcast %max3A : f32 to vector<16xf32>
        %max3A_691 = arith.maximumf %add3A_689, %max3A_690 : vector<16xf32>
        %div3A_692 = arith.constant 1.000000e+00 : f32
        %div3A_693 = vector.broadcast %div3A_692 : f32 to vector<16xf32>
        %div3A_694 = arith.divf %div3A_693, %max3A_691 : vector<16xf32>
        %mul3A_695 = arith.mulf %gather3A, %div3A_694 : vector<16xf32>
        %swap3A = arith.constant 0 : i32
        %swap3A_696 = arith.index_cast %swap3A : i32 to index
        %swap3A_697 = arith.index_cast %shift_right_arithmetic3A_421 : i32 to index
        %swap3A_698 = arith.index_cast %mul3A_425 : i32 to index
        %swap3A_699 = tpu.vector_load %arg9[%swap3A_696, %swap3A_697, %swap3A_698] {strides = array<i32>} : memref<19x8x128xf32, #tpu.memory_space<vmem>>, vector<16xf32>,
        tpu.vector_store %arg9[%swap3A_696, %swap3A_697, %swap3A_698], %mul3A_695 {strides = array<i32>} : memref<19x8x128xf32, #tpu.memory_space<vmem>>, vector<16xf32>,
        %mul3A_700 = arith.mulf %gather3A_569, %div3A_694 : vector<16xf32>
        %swap3A_701 = arith.constant 1 : i32
        %swap3A_702 = arith.index_cast %swap3A_701 : i32 to index
        %swap3A_703 = arith.index_cast %shift_right_arithmetic3A_421 : i32 to index
        %swap3A_704 = arith.index_cast %mul3A_425 : i32 to index
        %swap3A_705 = tpu.vector_load %arg9[%swap3A_702, %swap3A_703, %swap3A_704] {strides = array<i32>} : memref<19x8x128xf32, #tpu.memory_space<vmem>>, vector<16xf32>,
        tpu.vector_store %arg9[%swap3A_702, %swap3A_703, %swap3A_704], %mul3A_700 {strides = array<i32>} : memref<19x8x128xf32, #tpu.memory_space<vmem>>, vector<16xf32>,
        %mul3A_706 = arith.mulf %gather3A_576, %div3A_694 : vector<16xf32>
        %swap3A_707 = arith.constant 2 : i32
        %swap3A_708 = arith.index_cast %swap3A_707 : i32 to index
        %swap3A_709 = arith.index_cast %shift_right_arithmetic3A_421 : i32 to index
        %swap3A_710 = arith.index_cast %mul3A_425 : i32 to index
        %swap3A_711 = tpu.vector_load %arg9[%swap3A_708, %swap3A_709, %swap3A_710] {strides = array<i32>} : memref<19x8x128xf32, #tpu.memory_space<vmem>>, vector<16xf32>,
        tpu.vector_store %arg9[%swap3A_708, %swap3A_709, %swap3A_710], %mul3A_706 {strides = array<i32>} : memref<19x8x128xf32, #tpu.memory_space<vmem>>, vector<16xf32>,
        %mul3A_712 = arith.mulf %gather3A_583, %div3A_694 : vector<16xf32>
        %swap3A_713 = arith.constant 3 : i32
        %swap3A_714 = arith.index_cast %swap3A_713 : i32 to index
        %swap3A_715 = arith.index_cast %shift_right_arithmetic3A_421 : i32 to index
        %swap3A_716 = arith.index_cast %mul3A_425 : i32 to index
        %swap3A_717 = tpu.vector_load %arg9[%swap3A_714, %swap3A_715, %swap3A_716] {strides = array<i32>} : memref<19x8x128xf32, #tpu.memory_space<vmem>>, vector<16xf32>,
        tpu.vector_store %arg9[%swap3A_714, %swap3A_715, %swap3A_716], %mul3A_712 {strides = array<i32>} : memref<19x8x128xf32, #tpu.memory_space<vmem>>, vector<16xf32>,
        %mul3A_718 = arith.mulf %gather3A_590, %div3A_694 : vector<16xf32>
        %swap3A_719 = arith.constant 4 : i32
        %swap3A_720 = arith.index_cast %swap3A_719 : i32 to index
        %swap3A_721 = arith.index_cast %shift_right_arithmetic3A_421 : i32 to index
        %swap3A_722 = arith.index_cast %mul3A_425 : i32 to index
        %swap3A_723 = tpu.vector_load %arg9[%swap3A_720, %swap3A_721, %swap3A_722] {strides = array<i32>} : memref<19x8x128xf32, #tpu.memory_space<vmem>>, vector<16xf32>,
        tpu.vector_store %arg9[%swap3A_720, %swap3A_721, %swap3A_722], %mul3A_718 {strides = array<i32>} : memref<19x8x128xf32, #tpu.memory_space<vmem>>, vector<16xf32>,
        %mul3A_724 = arith.mulf %gather3A_597, %div3A_694 : vector<16xf32>
        %swap3A_725 = arith.constant 5 : i32
        %swap3A_726 = arith.index_cast %swap3A_725 : i32 to index
        %swap3A_727 = arith.index_cast %shift_right_arithmetic3A_421 : i32 to index
        %swap3A_728 = arith.index_cast %mul3A_425 : i32 to index
        %swap3A_729 = tpu.vector_load %arg9[%swap3A_726, %swap3A_727, %swap3A_728] {strides = array<i32>} : memref<19x8x128xf32, #tpu.memory_space<vmem>>, vector<16xf32>,
        tpu.vector_store %arg9[%swap3A_726, %swap3A_727, %swap3A_728], %mul3A_724 {strides = array<i32>} : memref<19x8x128xf32, #tpu.memory_space<vmem>>, vector<16xf32>,
        %mul3A_730 = arith.mulf %gather3A_604, %div3A_694 : vector<16xf32>
        %swap3A_731 = arith.constant 6 : i32
        %swap3A_732 = arith.index_cast %swap3A_731 : i32 to index
        %swap3A_733 = arith.index_cast %shift_right_arithmetic3A_421 : i32 to index
        %swap3A_734 = arith.index_cast %mul3A_425 : i32 to index
        %swap3A_735 = tpu.vector_load %arg9[%swap3A_732, %swap3A_733, %swap3A_734] {strides = array<i32>} : memref<19x8x128xf32, #tpu.memory_space<vmem>>, vector<16xf32>,
        tpu.vector_store %arg9[%swap3A_732, %swap3A_733, %swap3A_734], %mul3A_730 {strides = array<i32>} : memref<19x8x128xf32, #tpu.memory_space<vmem>>, vector<16xf32>,
        %mul3A_736 = arith.mulf %gather3A_611, %div3A_694 : vector<16xf32>
        %swap3A_737 = arith.constant 7 : i32
        %swap3A_738 = arith.index_cast %swap3A_737 : i32 to index
        %swap3A_739 = arith.index_cast %shift_right_arithmetic3A_421 : i32 to index
        %swap3A_740 = arith.index_cast %mul3A_425 : i32 to index
        %swap3A_741 = tpu.vector_load %arg9[%swap3A_738, %swap3A_739, %swap3A_740] {strides = array<i32>} : memref<19x8x128xf32, #tpu.memory_space<vmem>>, vector<16xf32>,
        tpu.vector_store %arg9[%swap3A_738, %swap3A_739, %swap3A_740], %mul3A_736 {strides = array<i32>} : memref<19x8x128xf32, #tpu.memory_space<vmem>>, vector<16xf32>,
        %mul3A_742 = arith.mulf %gather3A_618, %div3A_694 : vector<16xf32>
        %swap3A_743 = arith.constant 8 : i32
        %swap3A_744 = arith.index_cast %swap3A_743 : i32 to index
        %swap3A_745 = arith.index_cast %shift_right_arithmetic3A_421 : i32 to index
        %swap3A_746 = arith.index_cast %mul3A_425 : i32 to index
        %swap3A_747 = tpu.vector_load %arg9[%swap3A_744, %swap3A_745, %swap3A_746] {strides = array<i32>} : memref<19x8x128xf32, #tpu.memory_space<vmem>>, vector<16xf32>,
        tpu.vector_store %arg9[%swap3A_744, %swap3A_745, %swap3A_746], %mul3A_742 {strides = array<i32>} : memref<19x8x128xf32, #tpu.memory_space<vmem>>, vector<16xf32>,
        %mul3A_748 = arith.mulf %gather3A_625, %div3A_694 : vector<16xf32>
        %swap3A_749 = arith.constant 9 : i32
        %swap3A_750 = arith.index_cast %swap3A_749 : i32 to index
        %swap3A_751 = arith.index_cast %shift_right_arithmetic3A_421 : i32 to index
        %swap3A_752 = arith.index_cast %mul3A_425 : i32 to index
        %swap3A_753 = tpu.vector_load %arg9[%swap3A_750, %swap3A_751, %swap3A_752] {strides = array<i32>} : memref<19x8x128xf32, #tpu.memory_space<vmem>>, vector<16xf32>,
        tpu.vector_store %arg9[%swap3A_750, %swap3A_751, %swap3A_752], %mul3A_748 {strides = array<i32>} : memref<19x8x128xf32, #tpu.memory_space<vmem>>, vector<16xf32>,
        %mul3A_754 = arith.mulf %gather3A_632, %div3A_694 : vector<16xf32>
        %swap3A_755 = arith.constant 10 : i32
        %swap3A_756 = arith.index_cast %swap3A_755 : i32 to index
        %swap3A_757 = arith.index_cast %shift_right_arithmetic3A_421 : i32 to index
        %swap3A_758 = arith.index_cast %mul3A_425 : i32 to index
        %swap3A_759 = tpu.vector_load %arg9[%swap3A_756, %swap3A_757, %swap3A_758] {strides = array<i32>} : memref<19x8x128xf32, #tpu.memory_space<vmem>>, vector<16xf32>,
        tpu.vector_store %arg9[%swap3A_756, %swap3A_757, %swap3A_758], %mul3A_754 {strides = array<i32>} : memref<19x8x128xf32, #tpu.memory_space<vmem>>, vector<16xf32>,
        %mul3A_760 = arith.mulf %gather3A_639, %div3A_694 : vector<16xf32>
        %swap3A_761 = arith.constant 11 : i32
        %swap3A_762 = arith.index_cast %swap3A_761 : i32 to index
        %swap3A_763 = arith.index_cast %shift_right_arithmetic3A_421 : i32 to index
        %swap3A_764 = arith.index_cast %mul3A_425 : i32 to index
        %swap3A_765 = tpu.vector_load %arg9[%swap3A_762, %swap3A_763, %swap3A_764] {strides = array<i32>} : memref<19x8x128xf32, #tpu.memory_space<vmem>>, vector<16xf32>,
        tpu.vector_store %arg9[%swap3A_762, %swap3A_763, %swap3A_764], %mul3A_760 {strides = array<i32>} : memref<19x8x128xf32, #tpu.memory_space<vmem>>, vector<16xf32>,
        %mul3A_766 = arith.mulf %gather3A_646, %div3A_694 : vector<16xf32>
        %swap3A_767 = arith.constant 12 : i32
        %swap3A_768 = arith.index_cast %swap3A_767 : i32 to index
        %swap3A_769 = arith.index_cast %shift_right_arithmetic3A_421 : i32 to index
        %swap3A_770 = arith.index_cast %mul3A_425 : i32 to index
        %swap3A_771 = tpu.vector_load %arg9[%swap3A_768, %swap3A_769, %swap3A_770] {strides = array<i32>} : memref<19x8x128xf32, #tpu.memory_space<vmem>>, vector<16xf32>,
        tpu.vector_store %arg9[%swap3A_768, %swap3A_769, %swap3A_770], %mul3A_766 {strides = array<i32>} : memref<19x8x128xf32, #tpu.memory_space<vmem>>, vector<16xf32>,
        %mul3A_772 = arith.mulf %gather3A_653, %div3A_694 : vector<16xf32>
        %swap3A_773 = arith.constant 13 : i32
        %swap3A_774 = arith.index_cast %swap3A_773 : i32 to index
        %swap3A_775 = arith.index_cast %shift_right_arithmetic3A_421 : i32 to index
        %swap3A_776 = arith.index_cast %mul3A_425 : i32 to index
        %swap3A_777 = tpu.vector_load %arg9[%swap3A_774, %swap3A_775, %swap3A_776] {strides = array<i32>} : memref<19x8x128xf32, #tpu.memory_space<vmem>>, vector<16xf32>,
        tpu.vector_store %arg9[%swap3A_774, %swap3A_775, %swap3A_776], %mul3A_772 {strides = array<i32>} : memref<19x8x128xf32, #tpu.memory_space<vmem>>, vector<16xf32>,
        %mul3A_778 = arith.mulf %gather3A_660, %div3A_694 : vector<16xf32>
        %swap3A_779 = arith.constant 14 : i32
        %swap3A_780 = arith.index_cast %swap3A_779 : i32 to index
        %swap3A_781 = arith.index_cast %shift_right_arithmetic3A_421 : i32 to index
        %swap3A_782 = arith.index_cast %mul3A_425 : i32 to index
        %swap3A_783 = tpu.vector_load %arg9[%swap3A_780, %swap3A_781, %swap3A_782] {strides = array<i32>} : memref<19x8x128xf32, #tpu.memory_space<vmem>>, vector<16xf32>,
        tpu.vector_store %arg9[%swap3A_780, %swap3A_781, %swap3A_782], %mul3A_778 {strides = array<i32>} : memref<19x8x128xf32, #tpu.memory_space<vmem>>, vector<16xf32>,
        %mul3A_784 = arith.mulf %gather3A_667, %div3A_694 : vector<16xf32>
        %swap3A_785 = arith.constant 15 : i32
        %swap3A_786 = arith.index_cast %swap3A_785 : i32 to index
        %swap3A_787 = arith.index_cast %shift_right_arithmetic3A_421 : i32 to index
        %swap3A_788 = arith.index_cast %mul3A_425 : i32 to index
        %swap3A_789 = tpu.vector_load %arg9[%swap3A_786, %swap3A_787, %swap3A_788] {strides = array<i32>} : memref<19x8x128xf32, #tpu.memory_space<vmem>>, vector<16xf32>,
        tpu.vector_store %arg9[%swap3A_786, %swap3A_787, %swap3A_788], %mul3A_784 {strides = array<i32>} : memref<19x8x128xf32, #tpu.memory_space<vmem>>, vector<16xf32>,
        %mul3A_790 = arith.mulf %gather3A_674, %div3A_694 : vector<16xf32>
        %swap3A_791 = arith.constant 16 : i32
        %swap3A_792 = arith.index_cast %swap3A_791 : i32 to index
        %swap3A_793 = arith.index_cast %shift_right_arithmetic3A_421 : i32 to index
        %swap3A_794 = arith.index_cast %mul3A_425 : i32 to index
        %swap3A_795 = tpu.vector_load %arg9[%swap3A_792, %swap3A_793, %swap3A_794] {strides = array<i32>} : memref<19x8x128xf32, #tpu.memory_space<vmem>>, vector<16xf32>,
        tpu.vector_store %arg9[%swap3A_792, %swap3A_793, %swap3A_794], %mul3A_790 {strides = array<i32>} : memref<19x8x128xf32, #tpu.memory_space<vmem>>, vector<16xf32>,
        %mul3A_796 = arith.mulf %gather3A_681, %div3A_694 : vector<16xf32>
        %swap3A_797 = arith.constant 17 : i32
        %swap3A_798 = arith.index_cast %swap3A_797 : i32 to index
        %swap3A_799 = arith.index_cast %shift_right_arithmetic3A_421 : i32 to index
        %swap3A_800 = arith.index_cast %mul3A_425 : i32 to index
        %swap3A_801 = tpu.vector_load %arg9[%swap3A_798, %swap3A_799, %swap3A_800] {strides = array<i32>} : memref<19x8x128xf32, #tpu.memory_space<vmem>>, vector<16xf32>,
        tpu.vector_store %arg9[%swap3A_798, %swap3A_799, %swap3A_800], %mul3A_796 {strides = array<i32>} : memref<19x8x128xf32, #tpu.memory_space<vmem>>, vector<16xf32>,
        %mul3A_802 = arith.mulf %gather3A_688, %div3A_694 : vector<16xf32>
        %swap3A_803 = arith.constant 18 : i32
        %swap3A_804 = arith.index_cast %swap3A_803 : i32 to index
        %swap3A_805 = arith.index_cast %shift_right_arithmetic3A_421 : i32 to index
        %swap3A_806 = arith.index_cast %mul3A_425 : i32 to index
        %swap3A_807 = tpu.vector_load %arg9[%swap3A_804, %swap3A_805, %swap3A_806] {strides = array<i32>} : memref<19x8x128xf32, #tpu.memory_space<vmem>>, vector<16xf32>,
        tpu.vector_store %arg9[%swap3A_804, %swap3A_805, %swap3A_806], %mul3A_802 {strides = array<i32>} : memref<19x8x128xf32, #tpu.memory_space<vmem>>, vector<16xf32>,
      }
      %scan3A_328 = arith.constant 64 : i32
      %mul3A_329 = arith.constant 32 : i32
      %mul3A_330 = arith.muli %add3A_106, %mul3A_329 : i32
      %add3A_331 = arith.addi %mul3A_330, %add3A : i32
      %jit3A_332 = arith.constant 256 : i32
      %div3A_333 = arith.divsi %add3A_331, %jit3A_332 : i32
      %sign3A_334 = arith.constant 0 : i32
      %sign3A_335 = arith.cmpi sgt, %add3A_331, %sign3A_334 : i32
      %sign3A_336 = arith.extui %sign3A_335 : i1 to i32
      %sign3A_337 = arith.constant 0 : i32
      %sign3A_338 = arith.cmpi slt, %add3A_331, %sign3A_337 : i32
      %sign3A_339 = arith.extui %sign3A_338 : i1 to i32
      %sign3A_340 = arith.subi %sign3A_336, %sign3A_339 : i32
      %sign3A_341 = arith.constant 0 : i32
      %sign3A_342 = arith.cmpi sgt, %jit3A_332, %sign3A_341 : i32
      %sign3A_343 = arith.extui %sign3A_342 : i1 to i32
      %sign3A_344 = arith.constant 0 : i32
      %sign3A_345 = arith.cmpi slt, %jit3A_332, %sign3A_344 : i32
      %sign3A_346 = arith.extui %sign3A_345 : i1 to i32
      %sign3A_347 = arith.subi %sign3A_343, %sign3A_346 : i32
      %ne3A_348 = arith.cmpi ne, %sign3A_340, %sign3A_347 : i32
      %rem3A_349 = arith.remsi %add3A_331, %jit3A_332 : i32
      %ne3A_350 = arith.constant 0 : i32
      %ne3A_351 = arith.cmpi ne, %rem3A_349, %ne3A_350 : i32
      %and3A_352 = arith.andi %ne3A_348, %ne3A_351 : i1
      %sub3A_353 = arith.constant 1 : i32
      %sub3A_354 = arith.subi %div3A_333, %sub3A_353 : i32
      %select_n3A_355 = arith.select %and3A_352, %sub3A_354, %div3A_333 : i32
      %jit3A_356 = arith.constant 256 : i32
      %eq3A_357 = arith.constant 0 : i32
      %eq3A_358 = arith.cmpi eq, %jit3A_356, %eq3A_357 : i32
      %jit3A_359 = arith.constant 1 : i32
      %select_n3A_360 = arith.select %eq3A_358, %jit3A_359, %jit3A_356 : i32
      %rem3A_361 = arith.remsi %add3A_331, %select_n3A_360 : i32
      %ne3A_362 = arith.constant 0 : i32
      %ne3A_363 = arith.cmpi ne, %rem3A_361, %ne3A_362 : i32
      %lt3A_364 = arith.constant 0 : i32
      %lt3A_365 = arith.cmpi slt, %rem3A_361, %lt3A_364 : i32
      %lt3A_366 = arith.constant 0 : i32
      %lt3A_367 = arith.cmpi slt, %select_n3A_360, %lt3A_366 : i32
      %ne3A_368 = arith.xori %lt3A_365, %lt3A_367 : i1
      %and3A_369 = arith.andi %ne3A_368, %ne3A_363 : i1
      %add3A_370 = arith.addi %rem3A_361, %select_n3A_360 : i32
      %select_n3A_371 = arith.select %and3A_369, %add3A_370, %rem3A_361 : i32
      %jit3A_372 = arith.constant 4 : i32
      %div3A_373 = arith.divsi %select_n3A_371, %jit3A_372 : i32
      %sign3A_374 = arith.constant 0 : i32
      %sign3A_375 = arith.cmpi sgt, %select_n3A_371, %sign3A_374 : i32
      %sign3A_376 = arith.extui %sign3A_375 : i1 to i32
      %sign3A_377 = arith.constant 0 : i32
      %sign3A_378 = arith.cmpi slt, %select_n3A_371, %sign3A_377 : i32
      %sign3A_379 = arith.extui %sign3A_378 : i1 to i32
      %sign3A_380 = arith.subi %sign3A_376, %sign3A_379 : i32
      %sign3A_381 = arith.constant 0 : i32
      %sign3A_382 = arith.cmpi sgt, %jit3A_372, %sign3A_381 : i32
      %sign3A_383 = arith.extui %sign3A_382 : i1 to i32
      %sign3A_384 = arith.constant 0 : i32
      %sign3A_385 = arith.cmpi slt, %jit3A_372, %sign3A_384 : i32
      %sign3A_386 = arith.extui %sign3A_385 : i1 to i32
      %sign3A_387 = arith.subi %sign3A_383, %sign3A_386 : i32
      %ne3A_388 = arith.cmpi ne, %sign3A_380, %sign3A_387 : i32
      %rem3A_389 = arith.remsi %select_n3A_371, %jit3A_372 : i32
      %ne3A_390 = arith.constant 0 : i32
      %ne3A_391 = arith.cmpi ne, %rem3A_389, %ne3A_390 : i32
      %and3A_392 = arith.andi %ne3A_388, %ne3A_391 : i1
      %sub3A_393 = arith.constant 1 : i32
      %sub3A_394 = arith.subi %div3A_373, %sub3A_393 : i32
      %select_n3A_395 = arith.select %and3A_392, %sub3A_394, %div3A_373 : i32
      %mul3A_396 = arith.constant 8 : i32
      %mul3A_397 = arith.muli %select_n3A_395, %mul3A_396 : i32
      %jit3A_398 = arith.constant 4 : i32
      %eq3A_399 = arith.constant 0 : i32
      %eq3A_400 = arith.cmpi eq, %jit3A_398, %eq3A_399 : i32
      %jit3A_401 = arith.constant 1 : i32
      %select_n3A_402 = arith.select %eq3A_400, %jit3A_401, %jit3A_398 : i32
      %rem3A_403 = arith.remsi %select_n3A_371, %select_n3A_402 : i32
      %ne3A_404 = arith.constant 0 : i32
      %ne3A_405 = arith.cmpi ne, %rem3A_403, %ne3A_404 : i32
      %lt3A_406 = arith.constant 0 : i32
      %lt3A_407 = arith.cmpi slt, %rem3A_403, %lt3A_406 : i32
      %lt3A_408 = arith.constant 0 : i32
      %lt3A_409 = arith.cmpi slt, %select_n3A_402, %lt3A_408 : i32
      %ne3A_410 = arith.xori %lt3A_407, %lt3A_409 : i1
      %and3A_411 = arith.andi %ne3A_410, %ne3A_405 : i1
      %add3A_412 = arith.addi %rem3A_403, %select_n3A_402 : i32
      %select_n3A_413 = arith.select %and3A_411, %add3A_412, %rem3A_403 : i32
      %mul3A_414 = arith.constant 128 : i32
      %mul3A_415 = arith.muli %select_n3A_413, %mul3A_414 : i32
      %mul3A_416 = arith.constant 19 : i32
      %mul3A_417 = arith.muli %select_n3A_355, %mul3A_416 : i32
      %dma_start3A_418 = tpu.memref_slice %arg4[%mul3A_417, %mul3A_397, %mul3A_415] : memref<152x512x512xf32, #tpu.memory_space<hbm>> -> memref<19x8x128xf32, #tpu.memory_space<hbm>>
      %dma_start3A_419 = tpu.memref_slice %arg4[%mul3A_417, %mul3A_397, %mul3A_415] : memref<152x512x512xf32, #tpu.memory_space<hbm>> -> memref<19x8x128xf32, #tpu.memory_space<hbm>>
      tpu.enqueue_dma source(%arg9 : memref<19x8x128xf32, #tpu.memory_space<vmem>>) target(%dma_start3A_419 : memref<19x8x128xf32, #tpu.memory_space<hbm>>) target_semaphore(%arg13 : memref<!tpu.dma_semaphore, #tpu.memory_space<semaphore_mem>>)
    }
    %scan3A_84 = arith.constant 32 : i32
    %dma_wait3A = arith.constant 0 : i32
    %dma_wait3A_85 = arith.constant 0 : i32
    %dma_wait3A_86 = arith.constant 0 : i32
    %dma_wait3A_87 = tpu.memref_slice %arg4[%dma_wait3A, %dma_wait3A_85, %dma_wait3A_86] : memref<152x512x512xf32, #tpu.memory_space<hbm>> -> memref<19x8x128xf32, #tpu.memory_space<hbm>>
    %dma_wait3A_88 = arith.constant 0 : i32
    %dma_wait3A_89 = arith.constant 0 : i32
    %dma_wait3A_90 = arith.constant 0 : i32
    %dma_wait3A_91 = tpu.memref_slice %arg4[%dma_wait3A_88, %dma_wait3A_89, %dma_wait3A_90] : memref<152x512x512xf32, #tpu.memory_space<hbm>> -> memref<19x8x128xf32, #tpu.memory_space<hbm>>
    tpu.wait_dma2 semaphore(%arg12 : memref<!tpu.dma_semaphore, #tpu.memory_space<semaphore_mem>>) src(%arg8 : memref<19x8x128xf32, #tpu.memory_space<vmem>>) dst(%dma_wait3A_91 : memref<19x8x128xf32, #tpu.memory_space<hbm>>)
    %dma_wait3A_92 = arith.constant 0 : i32
    %dma_wait3A_93 = arith.constant 0 : i32
    %dma_wait3A_94 = arith.constant 0 : i32
    %dma_wait3A_95 = tpu.memref_slice %arg4[%dma_wait3A_92, %dma_wait3A_93, %dma_wait3A_94] : memref<152x512x512xf32, #tpu.memory_space<hbm>> -> memref<19x8x128xf32, #tpu.memory_space<hbm>>
    %dma_wait3A_96 = arith.constant 0 : i32
    %dma_wait3A_97 = arith.constant 0 : i32
    %dma_wait3A_98 = arith.constant 0 : i32
    %dma_wait3A_99 = tpu.memref_slice %arg4[%dma_wait3A_96, %dma_wait3A_97, %dma_wait3A_98] : memref<152x512x512xf32, #tpu.memory_space<hbm>> -> memref<19x8x128xf32, #tpu.memory_space<hbm>>
    tpu.wait_dma2 semaphore(%arg13 : memref<!tpu.dma_semaphore, #tpu.memory_space<semaphore_mem>>) src(%arg9 : memref<19x8x128xf32, #tpu.memory_space<vmem>>) dst(%dma_wait3A_99 : memref<19x8x128xf32, #tpu.memory_space<hbm>>)
    return
  }
}

</mosaic_0001>

<sc_bundles>
// kernel: kernel.3.cloned.1.call-start
scs
__scs_entry_jumppad:
0x0: {  	(pc) =	sbr.rel $0x88, $3  }
0x1: {  	(tag) =	ssettag $0x0;
	lr =	simm.s32 $0x1  }
0x2: {  	[smem:$0x3F9F] =	sst lr;
	_ =	strace $0xD0000000  }
0x3: {  	_ = 	snop  }
0x4: {  	_ = 	snop  }
0x5: {  	_ = 	snop  }
0x6: {  	_ = 	snop  }
0x7: {  	_ = 	snop  }
__scs_overlays_trampoline_lowered:
0x8: {  	[smem:$0x3FAE] =	sst s0  }
0x9: {  	[smem:$0x3FAF] =	sst s1  }
0xa: {  	[smem:$0x3FB0] =	sst s2  }
0xb: {  	[smem:$0x3FB1] =	sst s3  }
0xc: {  	[smem:$0x3FB2] =	sst s4  }
0xd: {  	[smem:$0x3FB3] =	sst s5  }
0xe: {  	[smem:$0x3FB4] =	sst s6  }
0xf: {  	[smem:$0x3FB5] =	sst s7  }
0x10: {  	[smem:$0x3FB6] =	sst s8  }
0x11: {  	[smem:$0x3FB7] =	sst s9;
	s0 =	simm.s32 @!p0 $0x0  }
0x12: {  	s1 =	sld [smem:$0x3F9D];
	s0 =	simm.s32 @p0 $0x1  }
0x13: {  	[smem:$0x3FB8] =	sst s0;
	s0 =	simm.s32 @!p1 $0x0  }
0x14: {  	s2 =	sld [smem:$0x3F9C];
	s0 =	simm.s32 @p1 $0x1  }
0x15: {  	[smem:$0x3FB9] =	sst s0;
	s0 =	simm.s32 @!p2 $0x0  }
0x16: {  	s3 =	sld [smem:$0x3FDB];
	s0 =	simm.s32 @p2 $0x1  }
0x17: {  	s4 =	simm.s32 $0x1BF5;
	[smem:$0x3FBB] =	sst s0  }
0x18: {  	s0 =	sld [smem:$0x3F9E];
	_ =	swait.ge [sflag:s4], $0x0  }
0x19: {  	s7 =	sld [smem:$0x3F9F]  }
0x1a: {  	s8 =	sadd.s32 $0xFFFFE003, lr  }
0x1b: {  	s9 =	sadd.s32 $0xFFFFFEF7, lr;
	s5 =	simm.s32 $0xFFFFFFFF;
	p2 =	slt.u32 s8, $0xFFFFF086  }
0x1c: {  	p1 =	slt.u32 s9, $0xF7A;
	s5 =	simm.s32 @!p2 $0x0  }
0x1d: {  	s5 =	simm.s32 @p1 $0x1;
	p0 =	seq.s32 s7, s2  }
0x1e: {  	s7 =	smul.u32 @!p0 $0xF7A, s2;
	p2 =	seq.s32 @!p0 s5, $0x0  }
0x1f: {  	s9 =	smul.u32 $0xF7A, s1;
	s8 =	simm.s32 @!p0 $0x1BF5;
	p2 =	por !p2, p0  }
0x20: {  	[sflag:s8] =	ssyncset.s32 @!p0 $0xFFFFF086;
	s6 =	sadd.s32 @!p0 s3, s7;
	s7 =	simm.s32 @!p0 $0x108  }
0x21: {  	s3 =	sadd.s32 s3, s9;
	s6 =	sadd.s32 @!p0 $0x88, s6;
	s7 =	simm.s32 @p2 $0x1082  }
0x22: {  	[simem:s7], [sflag:s8] =	dma.local @!p0 [hbm:s6], $0xF7A  }
0x23: {  	s9 =	sor.u32 $0xD0000000, s2;
	s6 =	simm.s32 $0x108;
	_ =	swait.ge @!p0 [sflag:s8], $0x0  }
0x24: {  	s3 =	sadd.s32 $0x88, s3;
	s6 =	simm.s32 @!p1 $0x1082;
	[sflag:s4] =	ssyncset.s32 $0xFFFFF086  }
0x25: {  	[simem:s6], [sflag:s4] =	dma.local [hbm:s3], $0xF7A  }
0x26: {  	[smem:$0x3F9F] =	sst s1;
	(tag) =	ssettag s2;
	_ =	strace s9  }
0x27: {  	s1 =	sld [smem:$0x3FAF]  }
0x28: {  	s2 =	sld [smem:$0x3FB0]  }
0x29: {  	s4 =	sld [smem:$0x3FB2]  }
0x2a: {  	p0 =	seq.s32 s5, $0x0;
	s5 =	sld [smem:$0x3FB3]  }
0x2b: {  	s6 =	sld [smem:$0x3FB4]  }
0x2c: {  	s7 =	sld [smem:$0x3FB5]  }
0x2d: {  	s3 =	simm.s32 $0x108;
	s8 =	sld [smem:$0x3FB6]  }
0x2e: {  	s3 =	simm.s32 @!p0 $0x1082;
	s9 =	sld [smem:$0x3FB7]  }
0x2f: {  	lr =	sadd.s32 s0, s3;
	s0 =	sld [smem:$0x3FAE]  }
0x30: {  	s3 =	sld [smem:$0x3FB1]  }
0x31: {  	[smem:$0x3FBA] =	sst s10  }
0x32: {  	s10 =	sld [smem:$0x3FB8];
	_ =	sdelay $0x3  }
0x33: {  	p0 =	seq.s32 s10, $0x1;
	s10 =	sld [smem:$0x3FBA];
	_ =	sdelay $0x3  }
0x34: {  	[smem:$0x3FBA] =	sst s10  }
0x35: {  	s10 =	sld [smem:$0x3FB9];
	_ =	sdelay $0x3  }
0x36: {  	p1 =	seq.s32 s10, $0x1;
	s10 =	sld [smem:$0x3FBA];
	_ =	sdelay $0x3  }
0x37: {  	[smem:$0x3FBA] =	sst s10  }
0x38: {  	s10 =	sld [smem:$0x3FBB]  }
0x39: {  	_ = 	snop;
	(pc) =	sbr.ind lr, $3  }
0x3a: {  	_ = 	snop  }
0x3b: {  	_ = 	snop  }
0x3c: {  	p2 =	seq.s32 s10, $0x1;
	s10 =	sld [smem:$0x3FBA]  }
0x3d: {  	_ =	shalt  }
0x3e: {  	_ =	shalt  }
0x3f: {  	_ =	shalt  }
0x40: {  	_ =	shalt  }
0x41: {  	_ =	shalt  }
0x42: {  	_ =	shalt  }
0x43: {  	_ =	shalt  }
0x44: {  	_ =	shalt  }
0x45: {  	_ =	shalt  }
0x46: {  	_ =	shalt  }
0x47: {  	_ =	shalt  }
0x48: {  	_ =	shalt  }
0x49: {  	_ =	shalt  }
0x4a: {  	_ =	shalt  }
0x4b: {  	_ =	shalt  }
0x4c: {  	_ =	shalt  }
0x4d: {  	_ =	shalt  }
0x4e: {  	_ =	shalt  }
0x4f: {  	_ =	shalt  }
0x50: {  	_ =	shalt  }
0x51: {  	_ =	shalt  }
0x52: {  	_ =	shalt  }
0x53: {  	_ =	shalt  }
0x54: {  	_ =	shalt  }
0x55: {  	_ =	shalt  }
0x56: {  	_ =	shalt  }
0x57: {  	_ =	shalt  }
0x58: {  	_ =	shalt  }
0x59: {  	_ =	shalt  }
0x5a: {  	_ =	shalt  }
0x5b: {  	_ =	shalt  }
0x5c: {  	_ =	shalt  }
0x5d: {  	_ =	shalt  }
0x5e: {  	_ =	shalt  }
0x5f: {  	_ =	shalt  }
0x60: {  	_ =	shalt  }
0x61: {  	_ =	shalt  }
0x62: {  	_ =	shalt  }
0x63: {  	_ =	shalt  }
0x64: {  	_ =	shalt  }
0x65: {  	_ =	shalt  }
0x66: {  	_ =	shalt  }
0x67: {  	_ =	shalt  }
0x68: {  	_ =	shalt  }
0x69: {  	_ =	shalt  }
0x6a: {  	_ =	shalt  }
0x6b: {  	_ =	shalt  }
0x6c: {  	_ =	shalt  }
0x6d: {  	_ =	shalt  }
0x6e: {  	_ =	shalt  }
0x6f: {  	_ =	shalt  }
0x70: {  	_ =	shalt  }
0x71: {  	_ =	shalt  }
0x72: {  	_ =	shalt  }
0x73: {  	_ =	shalt  }
0x74: {  	_ =	shalt  }
0x75: {  	_ =	shalt  }
0x76: {  	_ =	shalt  }
0x77: {  	_ =	shalt  }
0x78: {  	_ =	shalt  }
0x79: {  	_ =	shalt  }
0x7a: {  	_ =	shalt  }
0x7b: {  	_ =	shalt  }
0x7c: {  	_ =	shalt  }
0x7d: {  	_ =	shalt  }
0x7e: {  	_ =	shalt  }
0x7f: {  	_ =	shalt  }
0x80: {  	_ =	shalt  }
0x81: {  	_ =	shalt  }
0x82: {  	_ =	shalt  }
0x83: {  	_ =	shalt  }
0x84: {  	_ =	shalt  }
0x85: {  	_ =	shalt  }
0x86: {  	_ =	shalt  }
0x87: {  	_ =	shalt  }
.Lfunc_end0:
.L_simem_size_0:
called_computation_lowered:
.L_overlay_start_0:
0x88: {  	s2 =	sld [smem:$0x3FD9]  }
0x89: {  	s3 =	sld [smem:$0x3FFE];
	_ =	sdelay $0x1  }
0x8a: {  	s1 =	srdreg.scid  }
0x8b: {  	s0 =	sand.u32 $0x1, s1  }
0x8c: {  	s17 =	sshll.u32 s0, $0xA;
	s2 =	sadd.s32 s3, s2  }
0x8d: {  	s2 =	sadd.s32 s2, s17  }
0x8e: {  	[smem:$0x3FC6] =	sst s2  }
0x8f: {  	_ = 	snop  }
0x90: {  	s2 =	sld [smem:$0x3FC9]  }
0x91: {  	s18 =	sld [smem:$0x3FD0];
	(tm) =	ssettm $0x1  }
0x92: {  	s4 =	sld [smem:$0x3FFB];
	_ =	sdelay $0x3  }
0x93: {  	_ =	strace s4  }
0x94: {  	s4 =	sld [smem:$0x3FFC];
	_ =	sdelay $0x3  }
0x95: {  	_ =	strace s4  }
0x96: {  	s4 =	sld [smem:$0x3FFD];
	_ =	sdelay $0x3  }
0x97: {  	_ =	strace s4  }
0x98: {  	_ =	strace $0x8FFFFFFF  }
0x99: {  	s19 =	sld [smem:$0x3FDB];
	_ =	sdelay $0x1  }
0x9a: {  	s5 =	simm.s32 $_scs_section_size  }
0x9b: {  	s6 =	simm.s32 $_size__tile_overlayer_lowered;
	s7 =	simm.s32 $_tile_overlayer_lowered  }
0x9c: {  	s22 =	simm.s32 $0x1BFF;
	s21 =	sshll.u32 s7, $0x1;
	s4 =	sadd.s32 s5, s19  }
0x9d: {  	s8 =	simm.s32 $0x0;
	s20 =	sshll.u32 s6, $0x1;
	s6 =	sadd.s32 s21, s4  }
0x9e: {  	[timem:s8], [sflag:s22] =	dma.local [hbm:s6], s20  }
0x9f: {  	_ =	swait.ge [sflag:s22], s20  }
0xa0: {  	s5 =	ssub.s32 $0x0, s20;
	[sflag:s22] =	ssyncset.done $0x0  }
0xa1: {  	[sflag:s22] =	ssyncadd.s32 s5;
	_ =	sdelay $0x1  }
0xa2: {  	s23 =	simm.s32 $0x1B8B  }
0xa3: {  	_ =	swait.ge [sflag:s23], $0x1  }
0xa4: {  	[sflag:s23] =	ssyncset.done $0x0  }
0xa5: {  	s25 =	simm.s32 $0x1B8E;
	s24 =	sld [smem:$0x3FFE];
	[sflag:s23] =	ssyncadd.s32 $0xFFFFFFFF  }
0xa6: {  	s26 =	simm.s32 $execute0_lowered;
	[smem:$0x3FD2] =	sst s25  }
0xa7: {  	s6 =	sshll.u32 s26, $0x1;
	_ =	strace $0x80000046;
	[dreg:$0x1] =	wrdreg $0xFFFFFFFF  }
0xa8: {  	s28 =	simm.s32 $_size_execute0_lowered;
	s4 =	sadd.s32 s4, s6;
	[dreg:$0x0] =	wrdreg $0x0  }
0xa9: {  	s6 =	sshll.u32 s28, $0x1;
	[dreg:$0x2] =	wrdreg s4  }
0xaa: {  	[dreg:$0x3] =	wrdreg s6  }
0xab: {  	[dreg:$0x4] =	wrdreg $0xC0  }
0xac: {  	_ =	task [dreg:s8], $0x5FFFF  }
0xad: {  	[dreg:$0x1] =	wrdreg $0xFFFFFFFF  }
0xae: {  	[dreg:$0x0] =	wrdreg $0x60  }
0xaf: {  	[dreg:$0x2] =	wrdreg s2  }
0xb0: {  	[dreg:$0x3] =	wrdreg s24  }
0xb1: {  	[dreg:$0x4] =	wrdreg s18  }
0xb2: {  	[dreg:$0x5] =	wrdreg $0x9  }
0xb3: {  	_ =	task.clear_ibuf [dreg:s8], $0x6FFFF;
	_ =	strace $0x90000046  }
0xb4: {  	s29 =	simm.s32 $0x9;
	_ =	strace $0x80000048  }
0xb5: {  	_ =	swait.ge [sflag:s29], $0x1  }
0xb6: {  	[sflag:s29] =	ssyncadd.s32 $0xFFFFFFFF  }
0xb7: {  	_ =	strace $0x90000048  }
0xb8: {  	_ =	sfence  }
0xb9: {  	s30 =	sld [smem:$0x0];
	_ =	sdelay $0x2  }
0xba: {  	s31 =	sshll.u32 s1, $0xD;
	s1 =	sshrl.u32 s1, $0x2  }
0xbb: {  	s3 =	sand.u32 $0x4000, s31;
	s1 =	sadd.s32 s1, s30  }
0xbc: {  	s0 =	sor.u32 s3, s0;
	s1 =	sshll.u32 s1, $0x11  }
0xbd: {  	s0 =	sor.u32 s1, s0  }
0xbe: {  	s0 =	sadd.s32 $0x8F2B, s0  }
0xbf: {  	[sflag:s0] =	ssyncadd.remote.s32 $0x1  }
0xc0: {  	_ =	sfence.sel $0xFFFF  }
0xc1: {  	[dreg:$0x0] =	wrdreg $0xFFFFFFFF;
	(pc) =	sbr.abs _section_cstart, $3  }
0xc2: {  	[dreg:$0x1] =	wrdreg $0xFFFFFFFF  }
0xc3: {  	_ =	task.clear_ibuf [dreg:s8], $0x2FFFF;
	_ =	strace $0x9FFFFFFF  }
0xc4: {  	(tm) =	ssettm $0x7FFFFFFF  }
0xc5: {  	_ =	shalt  }
tec
execute0_lowered:
.L_overlay_start_1:
0x0: {  	(tag) =	ssettag $0x1  }
0x1: {  	s1 =	rddreg [dreg:$0x0]  }
0x2: {  	s0 =	rddreg [dreg:$0x1]  }
0x3: {  	s2 =	rddreg [dreg:$0x2];
	s4 =	simm.s32 $0x0;
	s3 =	srdreg.scid  }
0x4: {  	s10 =	stileid.u32;
	s12 =	simm.s32 $0x5;
	s13 =	simm.s32 $0x400  }
0x5: {  	s14 =	simm.s32 $0x40000;
	s15 =	simm.s32 $0x180;
	s16 =	simm.s32 $0x4D80  }
0x6: {  	s17 =	simm.s32 $0x1;
	s18 =	simm.s32 $0x9980;
	s19 =	simm.s32 $0x2  }
0x7: {  	s20 =	simm.s32 $0x4;
	s21 =	simm.s32 $0xE580;
	s22 =	simm.s32 $0x3  }
0x8: {  	s23 =	simm.s32 $0x0;
	[smem:$0x7FF] =	sst s4;
	s5 =	sadd.s32 $0x400, s0  }
0x9: {  	s31 =	sand.u32 $0x1, s3;
	s6 =	sshll.u32 s10, $0x1;
	s7 =	sshll.u32 s10, $0x8  }
0xa: {  	_ =	strace $0x80000047;
	s3 =	ssub.s32 $0x2, s31;
	s0 =	sor.u32 s31, s6  }
0xb: {  	s7 =	sand.u32 $0xE00, s7;
	s8 =	sshrl.u32 s3, $0x1;
	s9 =	sshll.u32 s0, $0x7  }
0xc: {  	s7 =	sadd.s32 s1, s7;
	s0 =	sshll.u32 s0, $0xA;
	s9 =	sand.u32 $0x180, s9  }
0xd: {  	s3 =	ssub.s32 s3, s8;
	s8 =	sand.u32 $0xC00, s0;
	s7 =	sadd.s32 s9, s7  }
0xe: {  	s9 =	sshll.u32 s10, $0xB;
	s10 =	sor.u32 $0x8000, s8;
	s11 =	smax.u32 s3, $0x1  }
.LBB2_1:
0xf: {  	[tilespmem:s4], [sflag:$0x5] =	stream.linear.gather [hbm4b:s5+s4], $0x180, $0x38;
	[tilespmem:$0x13180] =	vst v63  }
0x10: {  	_ =	swait.ge [sflag:s12], $0x180  }
0x11: {  	[sflag:s12] =	ssyncset.done $0x0  }
0x12: {  	s24 =	simm.s32 $0x0;
	[sflag:s12] =	ssyncadd.s32 $0xFFFFFE80  }
0x13: {  	[tilespmem:s15], [sflag:$0x1] =	stream.strided.gather [hbm4b:s7+s13], $0x4C00, s14, s13, $0x38;
	[tilespmem:$0x13180] =	vst v63  }
.LBB2_2:
0x14: {  	s0 =	sshrl.u32 s24, $0x2  }
0x15: {  	s3 =	sshll.u32 s24, $0x10;
	s26 =	smul.u32 $0x4C0000, s0  }
0x16: {  	s0 =	sor.u32 s9, s3  }
0x17: {  	s28 =	sand.u32 $0x37000, s0;
	s25 =	sor.u32 s10, s26  }
0x18: {  	s0 =	sor.u32 s28, s25  }
0x19: {  	s25 =	sshrl.u32 s0, $0x3  }
0x1a: {  	s0 =	sadd.s32 s1, s25  }
0x1b: {  	[tilespmem:s16], [sflag:$0x2] =	stream.strided.gather [hbm4b:s0+s13], $0x4C00, s14, s13, $0x38;
	[tilespmem:$0x13180] =	vst v63  }
0x1c: {  	_ =	swait.ge [sflag:s17], $0x4C00  }
0x1d: {  	p0 =	seq.s32 s24, $0x0;
	[sflag:s17] =	ssyncset.done $0x0  }
0x1e: {  	s0 =	simm.s32 @!p0 $0x3;
	[sflag:s17] =	ssyncadd.s32 $0xFFFFB400  }
0x1f: {  	_ =	swait.ge @!p0 [sflag:s0], $0x4C00  }
0x20: {  	[sflag:s0] =	ssyncset.done @!p0 $0x0  }
0x21: {  	s30 =	simm.s32 $0x0;
	[sflag:s0] =	ssyncadd.s32 @!p0 $0xFFFFB400  }
0x22: {  	v0 =	vld [tilespmem:s30+$0x3180]  }
0x23: {  	v1 =	vld [tilespmem:s30+$0x2D80]  }
0x24: {  	v2 =	vld [tilespmem:s30+$0x2980]  }
0x25: {  	v3 =	vld [tilespmem:s30+$0x2580]  }
0x26: {  	v4 =	vld [tilespmem:s30+$0x2180]  }
0x27: {  	v5 =	vld [tilespmem:s30+$0x1D80];
	v0 =	vmul.f32 $1.442695020e+00, v0  }
0x28: {  	v6 =	vld [tilespmem:s30+$0x1980];
	v1 =	vmul.f32 $1.442695020e+00, v1  }
0x29: {  	v2 =	vmul.f32 $1.442695020e+00, v2;
	(erf) = vpow2.f32 v0;
	v0 =	vld [tilespmem:s30+$0x1580]  }
0x2a: {  	v3 =	vmul.f32 $1.442695020e+00, v3;
	(erf) = vpow2.f32 v1;
	v1 =	vld [tilespmem:s30+$0x1180]  }
0x2b: {  	v7 =	vld [tilespmem:s30+$0xD80];
	v4 =	vmul.f32 $1.442695020e+00, v4;
	(erf) = vpow2.f32 v2  }
0x2c: {  	v5 =	vmul.f32 $1.442695020e+00, v5;
	v2 =	vld [tilespmem:s30+$0x980];
	(erf) = vpow2.f32 v3  }
0x2d: {  	v6 =	vmul.f32 $1.442695020e+00, v6;
	v3 =	vld [tilespmem:s30+$0x180];
	(erf) = vpow2.f32 v4  }
0x2e: {  	v4 =	vld [tilespmem:s30+$0x580];
	v0 =	vmul.f32 $1.442695020e+00, v0;
	(erf) = vpow2.f32 v5  }
0x2f: {  	v1 =	vmul.f32 $1.442695020e+00, v1;
	(erf) = vpow2.f32 v6  }
0x30: {  	v5 =	vmul.f32 $1.442695020e+00, v7;
	(erf) = vpow2.f32 v0  }
0x31: {  	v0 =	vmul.f32 $1.442695020e+00, v2;
	(erf) = vpow2.f32 v1  }
0x32: {  	v1 =	vmul.f32 $1.442695020e+00, v3;
	v13 =	vpop (erf);
	(erf) = vpow2.f32 v5  }
0x33: {  	v2 =	vmul.f32 $1.442695020e+00, v4;
	v17 =	vpop (erf);
	(erf) = vpow2.f32 v0  }
0x34: {  	v19 =	vpop (erf);
	(erf) = vpow2.f32 v1  }
0x35: {  	v20 =	vpop (erf);
	(erf) = vpow2.f32 v2  }
0x36: {  	v21 =	vpop (erf)  }
0x37: {  	v24 =	vpop (erf)  }
0x38: {  	v25 =	vpop (erf)  }
0x39: {  	v26 =	vpop (erf)  }
0x3a: {  	v27 =	vpop (erf)  }
0x3b: {  	v28 =	vpop (erf)  }
0x3c: {  	v31 =	vpop (erf)  }
0x3d: {  	v32 =	vpop (erf)  }
0x3e: {  	v33 =	vpop (erf)  }
0x3f: {  	v0 =	vadd.f32 v33, v32;
	_ =	sdelay $0x1  }
0x40: {  	v0 =	vadd.f32 v31, v0;
	_ =	sdelay $0x1  }
0x41: {  	v0 =	vadd.f32 v28, v0;
	_ =	sdelay $0x1  }
0x42: {  	v0 =	vadd.f32 v27, v0  }
0x43: {  	v1 =	vld [tilespmem:s30+$0x3580]  }
0x44: {  	v0 =	vadd.f32 v26, v0  }
0x45: {  	v2 =	vld [tilespmem:s30+$0x3980]  }
0x46: {  	v0 =	vadd.f32 v25, v0  }
0x47: {  	v3 =	vld [tilespmem:s30+$0x3D80]  }
0x48: {  	v1 =	vmul.f32 $1.442695020e+00, v1;
	v0 =	vadd.f32 v24, v0  }
0x49: {  	v4 =	vld [tilespmem:s30+$0x4180]  }
0x4a: {  	v2 =	vmul.f32 $1.442695020e+00, v2;
	(erf) = vpow2.f32 v1;
	v0 =	vadd.f32 v21, v0  }
0x4b: {  	v1 =	vld [tilespmem:s30+$0x4580]  }
0x4c: {  	v3 =	vmul.f32 $1.442695020e+00, v3;
	(erf) = vpow2.f32 v2;
	v0 =	vadd.f32 v20, v0  }
0x4d: {  	v2 =	vld [tilespmem:s30+$0x4980]  }
0x4e: {  	v4 =	vmul.f32 $1.442695020e+00, v4;
	(erf) = vpow2.f32 v3;
	v0 =	vadd.f32 v19, v0;
	_ =	sdelay $0x1  }
0x4f: {  	(erf) = vpow2.f32 v4;
	v1 =	vmul.f32 $1.442695020e+00, v1;
	v0 =	vadd.f32 v17, v0;
	_ =	sdelay $0x1  }
0x50: {  	v2 =	vmul.f32 $1.442695020e+00, v2;
	(erf) = vpow2.f32 v1;
	v0 =	vadd.f32 v13, v0  }
0x51: {  	v22 =	vpop (erf)  }
0x52: {  	(erf) = vpow2.f32 v2;
	v0 =	vadd.f32 v22, v0  }
0x53: {  	v12 =	vpop (erf)  }
0x54: {  	s29 =	simm.s32 $0x10;
	v0 =	vadd.f32 v12, v0  }
0x55: {  	v1 =	vld [tilespmem:s29+$0x3180];
	v23 =	vpop (erf)  }
0x56: {  	v2 =	vld [tilespmem:s29+$0x2D80];
	v0 =	vadd.f32 v23, v0  }
0x57: {  	v11 =	vpop (erf)  }
0x58: {  	v3 =	vld [tilespmem:s29+$0x2980];
	v0 =	vadd.f32 v11, v0  }
0x59: {  	v4 =	vld [tilespmem:s29+$0x2580];
	v18 =	vpop (erf)  }
0x5a: {  	v5 =	vld [tilespmem:s29+$0x2180];
	v1 =	vmul.f32 $1.442695020e+00, v1;
	v0 =	vadd.f32 v18, v0  }
0x5b: {  	v6 =	vld [tilespmem:s29+$0x1D80];
	v2 =	vmul.f32 $1.442695020e+00, v2;
	v14 =	vpop (erf)  }
0x5c: {  	v7 =	vld [tilespmem:s29+$0x1980];
	(erf) = vpow2.f32 v1;
	v0 =	vadd.f32 v14, v0  }
0x5d: {  	v3 =	vmul.f32 $1.442695020e+00, v3;
	v1 =	vld [tilespmem:s29+$0x1580];
	(erf) = vpow2.f32 v2  }
0x5e: {  	v4 =	vmul.f32 $1.442695020e+00, v4;
	v2 =	vld [tilespmem:s29+$0x1180];
	(erf) = vrcp.f32 v0  }
0x5f: {  	v5 =	vmul.f32 $1.442695020e+00, v5;
	v0 =	vld [tilespmem:s29+$0xD80];
	(erf) = vpow2.f32 v3  }
0x60: {  	v6 =	vmul.f32 $1.442695020e+00, v6;
	v3 =	vld [tilespmem:s29+$0x980];
	(erf) = vpow2.f32 v4  }
0x61: {  	v7 =	vmul.f32 $1.442695020e+00, v7;
	v4 =	vld [tilespmem:s29+$0x180];
	(erf) = vpow2.f32 v5  }
0x62: {  	v1 =	vmul.f32 $1.442695020e+00, v1;
	v5 =	vld [tilespmem:s29+$0x580];
	(erf) = vpow2.f32 v6  }
0x63: {  	v2 =	vmul.f32 $1.442695020e+00, v2;
	(erf) = vpow2.f32 v7  }
0x64: {  	v6 =	vmul.f32 $1.442695020e+00, v0;
	(erf) = vpow2.f32 v1  }
0x65: {  	v0 =	vpop (erf);
	v3 =	vmul.f32 $1.442695020e+00, v3;
	(erf) = vpow2.f32 v2  }
0x66: {  	v1 =	vpop (erf);
	v4 =	vmul.f32 $1.442695020e+00, v4;
	(erf) = vpow2.f32 v6  }
0x67: {  	v5 =	vmul.f32 $1.442695020e+00, v5;
	v9 =	vpop (erf);
	(erf) = vpow2.f32 v3  }
0x68: {  	v2 =	vpop (erf);
	(erf) = vpow2.f32 v4  }
0x69: {  	v3 =	vpop (erf);
	(erf) = vpow2.f32 v5  }
0x6a: {  	v4 =	vpop (erf)  }
0x6b: {  	v15 =	vld [tilespmem:s29+$0x3580];
	v5 =	vpop (erf)  }
0x6c: {  	v8 =	vpop (erf)  }
0x6d: {  	v6 =	vpop (erf)  }
0x6e: {  	v7 =	vpop (erf)  }
0x6f: {  	v34 =	vmul.f32 $1.500000000e+01, v9;
	v10 =	vpop (erf)  }
0x70: {  	v15 =	vmul.f32 $1.442695020e+00, v15;
	v9 =	vpop (erf)  }
0x71: {  	v14 =	vmul.f32 v34, v14;
	v16 =	vmul.f32 v34, v11;
	v11 =	vpop (erf)  }
0x72: {  	v36 =	vmul.f32 v34, v18;
	v18 =	vmul.f32 v34, v12;
	v12 =	vpop (erf)  }
0x73: {  	v37 =	vmul.f32 v34, v23;
	v23 =	vmul.f32 v34, v13;
	v13 =	vadd.f32 v12, v11  }
0x74: {  	v22 =	vmul.f32 v34, v22;
	v30 =	vmul.f32 v34, v19  }
0x75: {  	v29 =	vmul.f32 v34, v17;
	v40 =	vmul.f32 v34, v21;
	v13 =	vadd.f32 v9, v13  }
0x76: {  	v35 =	vmul.f32 v34, v20;
	v21 =	vmul.f32 v34, v25  }
0x77: {  	v24 =	vmul.f32 v34, v24;
	v20 =	vmul.f32 v34, v26;
	v13 =	vadd.f32 v10, v13  }
0x78: {  	v17 =	vmul.f32 v34, v28;
	v19 =	vmul.f32 v34, v27  }
0x79: {  	v25 =	vmul.f32 v34, v33;
	v26 =	vmul.f32 v34, v31;
	v13 =	vadd.f32 v7, v13  }
0x7a: {  	v27 =	vmul.f32 v34, v32;
	v34 =	vtrunc.f32 v36  }
0x7b: {  	v25 =	vtrunc.f32 v25;
	v31 =	vtrunc.f32 v37;
	v13 =	vadd.f32 v6, v13  }
0x7c: {  	v28 =	vtrunc.f32 v17;
	v25 =	vcvt.f32.s32 v25  }
0x7d: {  	v17 =	vtrunc.f32 v27;
	v27 =	vtrunc.f32 v26;
	v13 =	vadd.f32 v8, v13  }
0x7e: {  	v39 =	vld [tilespmem:s29+$0x3D80];
	v17 =	vcvt.f32.s32 v17;
	v63 =	vadd.s32 $0x10, v25;
	v25 =	vcvt.f32.s32 v27  }
0x7f: {  	v32 =	vld [tilespmem:s29+$0x4580];
	v27 =	vtrunc.f32 v19;
	v38 =	vadd.f32 v5, v13;
	v13 =	vcvt.f32.s32 v28  }
0x80: {  	v26 =	vld [tilespmem:s29+$0x4980];
	v19 =	vadd.s32 $0x20, v25;
	v25 =	vcvt.f32.s32 v27;
	v27 =	vtrunc.f32 v20  }
0x81: {  	v37 =	vld [tilespmem:s29+$0x4180];
	v27 =	vcvt.f32.s32 v27;
	v20 =	vadd.s32 $0x30, v13;
	v13 =	vtrunc.f32 v21  }
0x82: {  	v36 =	vld [tilespmem:s29+$0x3980];
	v28 =	vtrunc.f32 v24;
	v21 =	vadd.s32 $0x40, v25;
	v25 =	vcvt.f32.s32 v13  }
0x83: {  	s31 =	sshll.u32 s24, $0x6;
	s0 =	simm.s32 $0x80;
	v24 =	vadd.s32 $0x50, v27;
	v27 =	vcvt.f32.s32 v28;
	v28 =	vtrunc.f32 v40;
	v13 =	vld.idx.msk [tilespmem:v63+s4+$0x0], $0xffff  }
.LBB2_3:
0x84: {  	p1 =	sne.s32 s0, $0xFC0;
	v17 =	vld.idx.msk [tilespmem:v17+s4+$0x0], $0xffff;
	v25 =	vadd.s32 $0x60, v25;
	v28 =	vcvt.f32.s32 v28;
	v33 =	vtrunc.f32 v35  }
0x85: {  	v30 =	vtrunc.f32 v30;
	v19 =	vld.idx.msk [tilespmem:v19+s4+$0x0], $0xffff;
	v27 =	vadd.s32 $0x70, v27;
	v33 =	vcvt.f32.s32 v33  }
0x86: {  	v29 =	vtrunc.f32 v29;
	v30 =	vcvt.f32.s32 v30;
	v20 =	vld.idx.msk [tilespmem:v20+s4+$0x0], $0xffff;
	v28 =	vadd.s32 $0x80, v28  }
0x87: {  	v23 =	vtrunc.f32 v23;
	v29 =	vcvt.f32.s32 v29;
	v21 =	vld.idx.msk [tilespmem:v21+s4+$0x0], $0xffff;
	v33 =	vadd.s32 $0x90, v33  }
0x88: {  	v22 =	vtrunc.f32 v22;
	v23 =	vcvt.f32.s32 v23;
	v30 =	vadd.s32 $0xA0, v30;
	v24 =	vld.idx.msk [tilespmem:v24+s4+$0x0], $0xffff  }
0x89: {  	v18 =	vtrunc.f32 v18;
	v22 =	vcvt.f32.s32 v22;
	v29 =	vadd.s32 $0xB0, v29;
	v25 =	vld.idx.msk [tilespmem:v25+s4+$0x0], $0xffff  }
0x8a: {  	v18 =	vcvt.f32.s32 v18;
	v23 =	vadd.s32 $0xC0, v23;
	v35 =	vadd.f32 v13, v17;
	v27 =	vld.idx.msk [tilespmem:v27+s4+$0x0], $0xffff  }
0x8b: {  	v40 =	vcvt.f32.s32 v31;
	v16 =	vtrunc.f32 v16;
	v22 =	vadd.s32 $0xD0, v22;
	v28 =	vld.idx.msk [tilespmem:v28+s4+$0x0], $0xffff  }
0x8c: {  	v16 =	vcvt.f32.s32 v16;
	v18 =	vadd.s32 $0xE0, v18;
	v35 =	vadd.f32 v19, v35;
	v31 =	vld.idx.msk [tilespmem:v33+s4+$0x0], $0xffff  }
0x8d: {  	v14 =	vtrunc.f32 v14;
	v33 =	vld.idx.msk [tilespmem:v30+s4+$0x0], $0xffff;
	v30 =	vadd.s32 $0xF0, v40;
	v40 =	vcvt.f32.s32 v34  }
0x8e: {  	v14 =	vcvt.f32.s32 v14;
	v16 =	vadd.s32 $0x100, v16;
	v35 =	vadd.f32 v20, v35;
	v34 =	vld.idx.msk [tilespmem:v29+s4+$0x0], $0xffff  }
0x8f: {  	v29 =	vmul.f32 $1.442695020e+00, v36;
	(erf) = vpow2.f32 v15;
	v36 =	vld.idx.msk [tilespmem:v23+s4+$0x0], $0xffff;
	v15 =	vadd.s32 $0x110, v40  }
0x90: {  	v14 =	vadd.s32 $0x120, v14;
	v23 =	vadd.f32 v4, v38;
	v35 =	vadd.f32 v21, v35;
	v38 =	vld.idx.msk [tilespmem:v22+s4+$0x0], $0xffff  }
0x91: {  	v22 =	vmul.f32 $1.442695020e+00, v39;
	v39 =	vld.idx.msk [tilespmem:v18+s4+$0x0], $0xffff  }
0x92: {  	v18 =	vadd.f32 v3, v23;
	v23 =	vadd.f32 v24, v35;
	(erf) = vpow2.f32 v29;
	v40 =	vld.idx.msk [tilespmem:v30+s4+$0x0], $0xffff  }
0x93: {  	v29 =	vmul.f32 $1.442695020e+00, v37;
	v37 =	vld.idx.msk [tilespmem:v16+s4+$0x0], $0xffff  }
0x94: {  	v16 =	vadd.f32 v2, v18;
	v18 =	vadd.f32 v25, v23;
	(erf) = vpow2.f32 v22;
	v41 =	vld.idx.msk [tilespmem:v15+s4+$0x0], $0xffff  }
0x95: {  	v15 =	vmul.f32 $1.442695020e+00, v32;
	v32 =	vld.idx.msk [tilespmem:v14+s4+$0x0], $0xffff  }
0x96: {  	v14 =	vadd.f32 v1, v16;
	v16 =	vadd.f32 v27, v18;
	(erf) = vpow2.f32 v29  }
0x97: {  	v18 =	vmul.f32 $1.442695020e+00, v26  }
0x98: {  	v14 =	vadd.f32 v0, v14;
	v22 =	vpop (erf);
	(erf) = vpow2.f32 v15;
	v15 =	vadd.f32 v28, v16;
	_ =	sdelay $0x1  }
0x99: {  	v14 =	vadd.f32 v22, v14;
	(erf) = vpow2.f32 v18;
	v15 =	vadd.f32 v31, v15  }
0x9a: {  	v18 =	vpop (erf)  }
0x9b: {  	s3 =	sshra.s32 s0, $0x2;
	v14 =	vadd.f32 v18, v14;
	v15 =	vadd.f32 v33, v15  }
0x9c: {  	v16 =	vld [tilespmem:s3+$0x3180];
	v23 =	vpop (erf)  }
0x9d: {  	v26 =	vld [tilespmem:s3+$0x2D80];
	v14 =	vadd.f32 v23, v14;
	v15 =	vadd.f32 v34, v15  }
0x9e: {  	v29 =	vpop (erf)  }
0x9f: {  	v30 =	vld [tilespmem:s3+$0x2980];
	v14 =	vadd.f32 v29, v14;
	v15 =	vadd.f32 v36, v15  }
0xa0: {  	v35 =	vld [tilespmem:s3+$0x2580];
	v42 =	vpop (erf)  }
0xa1: {  	v43 =	vld [tilespmem:s3+$0x2180];
	v16 =	vmul.f32 $1.442695020e+00, v16;
	v14 =	vadd.f32 v42, v14;
	v15 =	vadd.f32 v38, v15  }
0xa2: {  	v44 =	vld [tilespmem:s3+$0x1D80];
	v26 =	vmul.f32 $1.442695020e+00, v26;
	v45 =	vpop (erf)  }
0xa3: {  	v46 =	vld [tilespmem:s3+$0x1980];
	(erf) = vpow2.f32 v16;
	v14 =	vadd.f32 v45, v14;
	v15 =	vadd.f32 v39, v15  }
0xa4: {  	v16 =	vld [tilespmem:s3+$0x1580];
	v30 =	vmul.f32 $1.442695020e+00, v30;
	(erf) = vpow2.f32 v26  }
0xa5: {  	v26 =	vld [tilespmem:s3+$0x1180];
	v35 =	vmul.f32 $1.442695020e+00, v35;
	(erf) = vrcp.f32 v14;
	v14 =	vadd.f32 v40, v15  }
0xa6: {  	v15 =	vld [tilespmem:s3+$0xD80];
	v43 =	vmul.f32 $1.442695020e+00, v43;
	(erf) = vpow2.f32 v30  }
0xa7: {  	v30 =	vld [tilespmem:s3+$0x980];
	v44 =	vmul.f32 $1.442695020e+00, v44;
	(erf) = vpow2.f32 v35;
	v14 =	vadd.f32 v37, v14  }
0xa8: {  	v35 =	vld [tilespmem:s3+$0x180];
	v46 =	vmul.f32 $1.442695020e+00, v46;
	(erf) = vpow2.f32 v43  }
0xa9: {  	v43 =	vld [tilespmem:s3+$0x580];
	v16 =	vmul.f32 $1.442695020e+00, v16;
	(erf) = vpow2.f32 v44;
	v14 =	vadd.f32 v41, v14  }
0xaa: {  	v47 =	vmul.f32 $1.442695020e+00, v26;
	(erf) = vpow2.f32 v46  }
0xab: {  	v46 =	vmul.f32 $1.442695020e+00, v15;
	v44 =	vld [tilespmem:s3+$0x3580];
	(erf) = vpow2.f32 v16;
	v14 =	vadd.f32 v32, v14  }
0xac: {  	v16 =	vmul.f32 $1.442695020e+00, v30;
	(erf) = vpow2.f32 v47;
	v26 =	vpop (erf)  }
0xad: {  	v30 =	vmul.f32 $1.442695020e+00, v35;
	(erf) = vpow2.f32 v46;
	v35 =	vpop (erf);
	v14 =	vmax.f32 v14, $1.000000020e-35  }
0xae: {  	v48 =	vmul.f32 $1.442695020e+00, v43;
	v15 =	vpop (erf);
	(erf) = vrcp.f32 v14  }
0xaf: {  	(erf) = vpow2.f32 v16;
	v46 =	vpop (erf);
	v47 =	vmul.f32 $1.500000000e+01, v15  }
0xb0: {  	v15 =	vmul.f32 $1.442695020e+00, v44;
	(erf) = vpow2.f32 v30;
	v44 =	vpop (erf)  }
0xb1: {  	(erf) = vpow2.f32 v48;
	v43 =	vpop (erf);
	v14 =	vmul.f32 v47, v45  }
0xb2: {  	v16 =	vmul.f32 v47, v29;
	v42 =	vmul.f32 v47, v42;
	v45 =	vpop (erf)  }
0xb3: {  	v18 =	vmul.f32 v47, v18;
	v49 =	vmul.f32 v47, v23;
	v48 =	vpop (erf)  }
0xb4: {  	v23 =	vmul.f32 v47, v0;
	v22 =	vmul.f32 v47, v22;
	v0 =	vmov v26;
	v50 =	vpop (erf)  }
0xb5: {  	v30 =	vmul.f32 v47, v2;
	v29 =	vmul.f32 v47, v1;
	v1 =	vmov v35;
	v26 =	vpop (erf)  }
0xb6: {  	v52 =	vmul.f32 v47, v4;
	v35 =	vmul.f32 v47, v3;
	v2 =	vmov v46;
	v51 =	vpop (erf)  }
0xb7: {  	v46 =	vmul.f32 v47, v8;
	v53 =	vmul.f32 v47, v5;
	v3 =	vmov v44;
	v54 =	vpop (erf)  }
0xb8: {  	v4 =	vmov v43;
	v44 =	vpop (erf);
	v41 =	vmul.f32 v54, v41;
	v55 =	vmul.f32 v54, v32  }
0xb9: {  	v5 =	vmov v45;
	v40 =	vmul.f32 v54, v40;
	v37 =	vmul.f32 v54, v37;
	v32 =	vpop (erf)  }
0xba: {  	v8 =	vmov v48;
	v38 =	vmul.f32 v54, v38;
	v39 =	vmul.f32 v54, v39;
	v43 =	vpop (erf);
	[tilespmem:s30+$0xE180] =	vst v55  }
0xbb: {  	v34 =	vmul.f32 v54, v34;
	v36 =	vmul.f32 v54, v36;
	[tilespmem:s30+$0xDD80] =	vst v41  }
0xbc: {  	v31 =	vmul.f32 v54, v31;
	v33 =	vmul.f32 v54, v33;
	[tilespmem:s30+$0xD980] =	vst v37  }
0xbd: {  	v27 =	vmul.f32 v54, v27;
	v28 =	vmul.f32 v54, v28;
	v37 =	vadd.f32 v43, v32;
	[tilespmem:s30+$0xD580] =	vst v40  }
0xbe: {  	v24 =	vmul.f32 v54, v24;
	v25 =	vmul.f32 v54, v25;
	[tilespmem:s30+$0xD180] =	vst v39  }
0xbf: {  	v20 =	vmul.f32 v54, v20;
	v21 =	vmul.f32 v54, v21;
	v37 =	vadd.f32 v44, v37;
	[tilespmem:s30+$0xCD80] =	vst v38  }
0xc0: {  	v13 =	vmul.f32 v54, v13;
	v39 =	vmul.f32 v54, v19;
	[tilespmem:s30+$0xC980] =	vst v36  }
0xc1: {  	v40 =	vmul.f32 v54, v17;
	v19 =	vadd.f32 v51, v37;
	v36 =	vmul.f32 v47, v6;
	[tilespmem:s30+$0xC580] =	vst v34  }
0xc2: {  	v17 =	vmul.f32 v47, v10;
	v37 =	vmul.f32 v47, v7;
	v6 =	vmovc v50;
	v7 =	vmov v26;
	[tilespmem:s30+$0xC180] =	vst v33  }
0xc3: {  	v38 =	vmul.f32 v47, v12;
	v26 =	vmul.f32 v47, v9;
	v19 =	vadd.f32 v7, v19;
	[tilespmem:s30+$0xBD80] =	vst v31  }
0xc4: {  	v10 =	vmovc v51;
	v9 =	vmovc v44;
	v34 =	vtrunc.f32 v42;
	v33 =	vmul.f32 v47, v11;
	v11 =	vmov v32;
	[tilespmem:s30+$0xB980] =	vst v28  }
0xc5: {  	v12 =	vmovc v43;
	v31 =	vtrunc.f32 v49;
	v19 =	vadd.f32 v6, v19;
	v28 =	vtrunc.f32 v38;
	[tilespmem:s30+$0xB580] =	vst v27  }
0xc6: {  	v27 =	vcvt.f32.s32 v28;
	v28 =	vtrunc.f32 v17;
	[tilespmem:s30+$0xB180] =	vst v25  }
0xc7: {  	v17 =	vtrunc.f32 v33;
	v19 =	vadd.f32 v8, v19;
	v25 =	vtrunc.f32 v26;
	[tilespmem:s30+$0xAD80] =	vst v24  }
0xc8: {  	v17 =	vcvt.f32.s32 v17;
	v24 =	vadd.s32 $0x10, v27;
	v25 =	vcvt.f32.s32 v25;
	v26 =	vld [tilespmem:s3+$0x4980];
	[tilespmem:s30+$0xA980] =	vst v21  }
.Ltmp0:
0xc9: {  	v27 =	vtrunc.f32 v37;
	v38 =	vadd.f32 v5, v19;
	v21 =	vcvt.f32.s32 v28;
	v32 =	vld [tilespmem:s3+$0x4580];
	[tilespmem:s30+$0xA580] =	vst v20;
	(pc) =	sbr.rel @p1 .LBB2_3-.Ltmp0, $4  }
0xca: {  	v19 =	vadd.s32 $0x20, v25;
	v25 =	vcvt.f32.s32 v27;
	v27 =	vtrunc.f32 v36;
	v37 =	vld [tilespmem:s3+$0x4180];
	[tilespmem:s30+$0xA180] =	vst v39  }
0xcb: {  	v28 =	vtrunc.f32 v46;
	v20 =	vadd.s32 $0x30, v21;
	v27 =	vcvt.f32.s32 v27;
	v39 =	vld [tilespmem:s3+$0x3D80];
	[tilespmem:s30+$0x9D80] =	vst v13  }
0xcc: {  	v21 =	vadd.s32 $0x40, v25;
	v25 =	vcvt.f32.s32 v28;
	v28 =	vtrunc.f32 v53;
	v36 =	vld [tilespmem:s3+$0x3980];
	[tilespmem:s30+$0x9980] =	vst v40;
	s30 =	smov.u32 s29;
	s29 =	smov.u32 s3  }
0xcd: {  	s0 =	sadd.s32 $0x40, s0;
	v13 =	vld.idx.msk [tilespmem:v24+s4+$0x0], $0xffff;
	v24 =	vadd.s32 $0x50, v27;
	v27 =	vcvt.f32.s32 v28;
	v28 =	vtrunc.f32 v52  }
0xce: {  	_ =	sdelay $0x3  }
0xcf: {  	v17 =	vld.idx.msk [tilespmem:v17+s4+$0x0], $0xffff;
	_ =	sdelay $0x1  }
0xd0: {  	v19 =	vld.idx.msk [tilespmem:v19+s4+$0x0], $0xffff;
	_ =	sdelay $0x1  }
0xd1: {  	v20 =	vld.idx.msk [tilespmem:v20+s4+$0x0], $0xffff  }
0xd2: {  	v25 =	vadd.s32 $0x60, v25;
	v33 =	vadd.f32 v13, v17  }
0xd3: {  	v21 =	vld.idx.msk [tilespmem:v21+s4+$0x0], $0xffff  }
0xd4: {  	v28 =	vcvt.f32.s32 v28;
	v27 =	vadd.s32 $0x70, v27;
	v33 =	vadd.f32 v19, v33  }
0xd5: {  	v35 =	vtrunc.f32 v35;
	v24 =	vld.idx.msk [tilespmem:v24+s4+$0x0], $0xffff  }
0xd6: {  	v35 =	vcvt.f32.s32 v35;
	v28 =	vadd.s32 $0x80, v28;
	v33 =	vadd.f32 v20, v33  }
0xd7: {  	v30 =	vtrunc.f32 v30;
	v25 =	vld.idx.msk [tilespmem:v25+s4+$0x0], $0xffff  }
0xd8: {  	v30 =	vcvt.f32.s32 v30;
	v35 =	vadd.s32 $0x90, v35;
	v33 =	vadd.f32 v21, v33  }
0xd9: {  	v29 =	vtrunc.f32 v29;
	v23 =	vtrunc.f32 v23;
	v27 =	vld.idx.msk [tilespmem:v27+s4+$0x0], $0xffff  }
0xda: {  	v29 =	vcvt.f32.s32 v29;
	v30 =	vadd.s32 $0xA0, v30;
	v33 =	vadd.f32 v24, v33  }
0xdb: {  	v22 =	vtrunc.f32 v22;
	v18 =	vtrunc.f32 v18;
	v28 =	vld.idx.msk [tilespmem:v28+s4+$0x0], $0xffff  }
0xdc: {  	v23 =	vcvt.f32.s32 v23;
	v29 =	vadd.s32 $0xB0, v29;
	v33 =	vadd.f32 v25, v33  }
0xdd: {  	v31 =	vcvt.f32.s32 v31;
	v16 =	vtrunc.f32 v16;
	v35 =	vld.idx.msk [tilespmem:v35+s4+$0x0], $0xffff  }
0xde: {  	v22 =	vcvt.f32.s32 v22;
	v23 =	vadd.s32 $0xC0, v23;
	v33 =	vadd.f32 v27, v33  }
0xdf: {  	(erf) = vpow2.f32 v15;
	v43 =	vadd.f32 v4, v38;
	v18 =	vcvt.f32.s32 v18;
	v30 =	vld.idx.msk [tilespmem:v30+s4+$0x0], $0xffff  }
0xe0: {  	v22 =	vadd.s32 $0xD0, v22;
	v36 =	vmul.f32 $1.442695020e+00, v36;
	v33 =	vadd.f32 v28, v33  }
0xe1: {  	v34 =	vcvt.f32.s32 v34;
	v44 =	vmul.f32 $1.442695020e+00, v39;
	v15 =	vadd.f32 v3, v43;
	v29 =	vld.idx.msk [tilespmem:v29+s4+$0x0], $0xffff  }
0xe2: {  	v18 =	vadd.s32 $0xE0, v18;
	(erf) = vpow2.f32 v36;
	v33 =	vadd.f32 v35, v33  }
0xe3: {  	v16 =	vcvt.f32.s32 v16;
	v45 =	vmul.f32 $1.442695020e+00, v37;
	v31 =	vadd.s32 $0xF0, v31;
	v23 =	vld.idx.msk [tilespmem:v23+s4+$0x0], $0xffff  }
0xe4: {  	v15 =	vadd.f32 v2, v15;
	(erf) = vpow2.f32 v44;
	v33 =	vadd.f32 v30, v33  }
0xe5: {  	v14 =	vtrunc.f32 v14;
	v32 =	vmul.f32 $1.442695020e+00, v32;
	v16 =	vadd.s32 $0x100, v16;
	v22 =	vld.idx.msk [tilespmem:v22+s4+$0x0], $0xffff  }
0xe6: {  	v15 =	vadd.f32 v1, v15;
	(erf) = vpow2.f32 v45;
	v33 =	vadd.f32 v29, v33  }
0xe7: {  	v47 =	vmul.f32 $1.442695020e+00, v26;
	v14 =	vcvt.f32.s32 v14;
	v34 =	vadd.s32 $0x110, v34;
	v46 =	vld.idx.msk [tilespmem:v18+s4+$0x0], $0xffff  }
0xe8: {  	v15 =	vadd.f32 v0, v15;
	(erf) = vpow2.f32 v32;
	v48 =	vadd.f32 v23, v33  }
0xe9: {  	v14 =	vadd.s32 $0x120, v14;
	v31 =	vld.idx.msk [tilespmem:v31+s4+$0x0], $0xffff;
	v49 =	vpop (erf)  }
0xea: {  	(erf) = vpow2.f32 v47;
	v15 =	vadd.f32 v49, v15;
	v50 =	vadd.f32 v22, v48  }
0xeb: {  	v51 =	vld.idx.msk [tilespmem:v16+s4+$0x0], $0xffff;
	v52 =	vpop (erf)  }
0xec: {  	v15 =	vadd.f32 v52, v15;
	v53 =	vadd.f32 v46, v50  }
0xed: {  	v34 =	vld.idx.msk [tilespmem:v34+s4+$0x0], $0xffff;
	v54 =	vpop (erf)  }
0xee: {  	v15 =	vadd.f32 v54, v15;
	v55 =	vadd.f32 v31, v53  }
0xef: {  	v56 =	vld.idx.msk [tilespmem:v14+s4+$0x0], $0xffff;
	v57 =	vpop (erf)  }
0xf0: {  	v58 =	vadd.f32 v57, v15;
	v37 =	vadd.f32 v51, v55  }
0xf1: {  	v59 =	vpop (erf)  }
0xf2: {  	v60 =	vadd.f32 v59, v58;
	v37 =	vadd.f32 v34, v37  }
0xf3: {  	v61 =	vpop (erf)  }
0xf4: {  	v39 =	vadd.f32 v61, v60;
	v37 =	vadd.f32 v56, v37;
	_ =	sdelay $0x1  }
0xf5: {  	(erf) = vrcp.f32 v39;
	v37 =	vmax.f32 v37, $1.000000020e-35  }
0xf6: {  	(erf) = vrcp.f32 v37;
	_ =	sdelay $0x7  }
0xf7: {  	v62 =	vpop (erf)  }
0xf8: {  	v63 =	vpop (erf)  }
0xf9: {  	v38 =	vmul.f32 v63, v56  }
0xfa: {  	v34 =	vmul.f32 v63, v34  }
0xfb: {  	v26 =	vmul.f32 v63, v51;
	[tilespmem:s30+$0xE180] =	vst v38  }
0xfc: {  	v31 =	vmul.f32 v63, v31;
	[tilespmem:s30+$0xDD80] =	vst v34  }
0xfd: {  	v36 =	vmul.f32 v63, v46;
	[tilespmem:s30+$0xD980] =	vst v26  }
0xfe: {  	v37 =	vmul.f32 $1.500000000e+01, v62;
	v22 =	vmul.f32 v63, v22;
	[tilespmem:s30+$0xD580] =	vst v31  }
0xff: {  	v23 =	vmul.f32 v63, v23;
	[tilespmem:s30+$0xD180] =	vst v36  }
0x100: {  	v12 =	vmul.f32 v37, v12;
	v29 =	vmul.f32 v63, v29;
	[tilespmem:s30+$0xCD80] =	vst v22  }
0x101: {  	v11 =	vmul.f32 v37, v11;
	v40 =	vmul.f32 v63, v30;
	[tilespmem:s30+$0xC980] =	vst v23  }
0x102: {  	v9 =	vmul.f32 v37, v9;
	v41 =	vmul.f32 v63, v28;
	[tilespmem:s30+$0xC580] =	vst v29  }
0x103: {  	v10 =	vmul.f32 v37, v10;
	v27 =	vmul.f32 v63, v27;
	[tilespmem:s30+$0xC180] =	vst v40  }
0x104: {  	v7 =	vmul.f32 v37, v7;
	v25 =	vmul.f32 v63, v25;
	[tilespmem:s30+$0xB980] =	vst v41  }
0x105: {  	v12 =	vtrunc.f32 v12;
	v24 =	vmul.f32 v63, v24;
	[tilespmem:s30+$0xB580] =	vst v27  }
0x106: {  	v11 =	vtrunc.f32 v11;
	v21 =	vmul.f32 v63, v21;
	[tilespmem:s30+$0xB180] =	vst v25  }
0x107: {  	v12 =	vcvt.f32.s32 v12;
	v20 =	vmul.f32 v63, v20;
	[tilespmem:s30+$0xAD80] =	vst v24  }
0x108: {  	v9 =	vtrunc.f32 v9;
	v19 =	vmul.f32 v63, v19;
	[tilespmem:s30+$0xA980] =	vst v21  }
0x109: {  	v11 =	vcvt.f32.s32 v11;
	v12 =	vadd.s32 $0x10, v12;
	v42 =	vmul.f32 v63, v13;
	[tilespmem:s30+$0xA580] =	vst v20  }
0x10a: {  	v9 =	vcvt.f32.s32 v9;
	v17 =	vmul.f32 v63, v17;
	[tilespmem:s30+$0xA180] =	vst v19  }
0x10b: {  	v10 =	vtrunc.f32 v10;
	v38 =	vmul.f32 v63, v35;
	[tilespmem:s30+$0x9D80] =	vst v42  }
0x10c: {  	v10 =	vcvt.f32.s32 v10;
	v9 =	vadd.s32 $0x20, v9;
	[tilespmem:s30+$0x9980] =	vst v17  }
0x10d: {  	v6 =	vmul.f32 v37, v6;
	v7 =	vtrunc.f32 v7;
	[tilespmem:s30+$0xBD80] =	vst v38  }
0x10e: {  	v7 =	vcvt.f32.s32 v7;
	v10 =	vadd.s32 $0x30, v10;
	v12 =	vld.idx.msk [tilespmem:v12+s4+$0x0], $0xffff  }
0x10f: {  	v8 =	vmul.f32 v37, v8;
	v6 =	vtrunc.f32 v6;
	v11 =	vld.idx.msk [tilespmem:v11+s4+$0x0], $0xffff  }
0x110: {  	v6 =	vcvt.f32.s32 v6;
	v7 =	vadd.s32 $0x40, v7  }
0x111: {  	v5 =	vmul.f32 v37, v5;
	v8 =	vtrunc.f32 v8;
	v9 =	vld.idx.msk [tilespmem:v9+s4+$0x0], $0xffff  }
0x112: {  	v8 =	vcvt.f32.s32 v8;
	v6 =	vadd.s32 $0x50, v6  }
0x113: {  	v43 =	vmul.f32 v37, v4;
	v5 =	vtrunc.f32 v5;
	v10 =	vld.idx.msk [tilespmem:v10+s4+$0x0], $0xffff  }
0x114: {  	v5 =	vcvt.f32.s32 v5;
	v8 =	vadd.s32 $0x60, v8;
	v44 =	vadd.f32 v12, v11  }
0x115: {  	v45 =	vmul.f32 v37, v3;
	v4 =	vtrunc.f32 v43;
	v7 =	vld.idx.msk [tilespmem:v7+s4+$0x0], $0xffff  }
0x116: {  	v4 =	vcvt.f32.s32 v4;
	v5 =	vadd.s32 $0x70, v5;
	v13 =	vadd.f32 v9, v44  }
0x117: {  	v3 =	vtrunc.f32 v45;
	v46 =	vmul.f32 v37, v2;
	v6 =	vld.idx.msk [tilespmem:v6+s4+$0x0], $0xffff  }
0x118: {  	v3 =	vcvt.f32.s32 v3;
	v4 =	vadd.s32 $0x80, v4;
	v13 =	vadd.f32 v10, v13  }
0x119: {  	v47 =	vmul.f32 v37, v1;
	v2 =	vtrunc.f32 v46;
	v8 =	vld.idx.msk [tilespmem:v8+s4+$0x0], $0xffff  }
0x11a: {  	v3 =	vadd.s32 $0x90, v3;
	v2 =	vcvt.f32.s32 v2;
	v13 =	vadd.f32 v7, v13  }
0x11b: {  	v48 =	vmul.f32 v37, v0;
	v1 =	vtrunc.f32 v47;
	v5 =	vld.idx.msk [tilespmem:v5+s4+$0x0], $0xffff  }
0x11c: {  	v1 =	vcvt.f32.s32 v1;
	v2 =	vadd.s32 $0xA0, v2;
	v13 =	vadd.f32 v6, v13  }
0x11d: {  	v49 =	vmul.f32 v37, v49;
	v0 =	vtrunc.f32 v48;
	v4 =	vld.idx.msk [tilespmem:v4+s4+$0x0], $0xffff  }
0x11e: {  	v0 =	vcvt.f32.s32 v0;
	v1 =	vadd.s32 $0xB0, v1;
	v13 =	vadd.f32 v8, v13  }
0x11f: {  	v50 =	vmul.f32 v37, v52;
	v17 =	vtrunc.f32 v49;
	v3 =	vld.idx.msk [tilespmem:v3+s4+$0x0], $0xffff  }
0x120: {  	v0 =	vadd.s32 $0xC0, v0;
	v17 =	vcvt.f32.s32 v17;
	v13 =	vadd.f32 v5, v13  }
0x121: {  	v18 =	vmul.f32 v37, v54;
	v19 =	vtrunc.f32 v50;
	v2 =	vld.idx.msk [tilespmem:v2+s4+$0x0], $0xffff  }
0x122: {  	v19 =	vcvt.f32.s32 v19;
	v17 =	vadd.s32 $0xD0, v17;
	v13 =	vadd.f32 v4, v13  }
0x123: {  	v16 =	vmul.f32 v37, v57;
	v18 =	vtrunc.f32 v18;
	v1 =	vld.idx.msk [tilespmem:v1+s4+$0x0], $0xffff  }
0x124: {  	v18 =	vcvt.f32.s32 v18;
	v19 =	vadd.s32 $0xE0, v19;
	v13 =	vadd.f32 v3, v13  }
0x125: {  	v15 =	vmul.f32 v37, v59;
	v16 =	vtrunc.f32 v16;
	v0 =	vld.idx.msk [tilespmem:v0+s4+$0x0], $0xffff  }
0x126: {  	v16 =	vcvt.f32.s32 v16;
	v18 =	vadd.s32 $0xF0, v18;
	v13 =	vadd.f32 v2, v13  }
0x127: {  	v14 =	vmul.f32 v37, v61;
	v15 =	vtrunc.f32 v15;
	v17 =	vld.idx.msk [tilespmem:v17+s4+$0x0], $0xffff  }
0x128: {  	v15 =	vcvt.f32.s32 v15;
	v16 =	vadd.s32 $0x100, v16;
	v13 =	vadd.f32 v1, v13  }
0x129: {  	v14 =	vtrunc.f32 v14;
	v19 =	vld.idx.msk [tilespmem:v19+s4+$0x0], $0xffff  }
0x12a: {  	v14 =	vcvt.f32.s32 v14;
	v15 =	vadd.s32 $0x110, v15;
	v13 =	vadd.f32 v0, v13  }
0x12b: {  	v18 =	vld.idx.msk [tilespmem:v18+s4+$0x0], $0xffff  }
0x12c: {  	v14 =	vadd.s32 $0x120, v14;
	v13 =	vadd.f32 v17, v13  }
0x12d: {  	v16 =	vld.idx.msk [tilespmem:v16+s4+$0x0], $0xffff  }
0x12e: {  	v13 =	vadd.f32 v19, v13  }
0x12f: {  	v15 =	vld.idx.msk [tilespmem:v15+s4+$0x0], $0xffff  }
0x130: {  	v13 =	vadd.f32 v18, v13  }
0x131: {  	v14 =	vld.idx.msk [tilespmem:v14+s4+$0x0], $0xffff  }
0x132: {  	v13 =	vadd.f32 v16, v13;
	_ =	sdelay $0x1  }
0x133: {  	v13 =	vadd.f32 v15, v13;
	_ =	sdelay $0x1  }
0x134: {  	v13 =	vadd.f32 v14, v13;
	_ =	sdelay $0x1  }
0x135: {  	v13 =	vmax.f32 v13, $1.000000020e-35  }
0x136: {  	(erf) = vrcp.f32 v13;
	_ =	sdelay $0x8  }
0x137: {  	v13 =	vpop (erf)  }
0x138: {  	v14 =	vmul.f32 v13, v14  }
0x139: {  	v15 =	vmul.f32 v13, v15  }
0x13a: {  	v16 =	vmul.f32 v13, v16;
	[tilespmem:s29+$0xE180] =	vst v14  }
0x13b: {  	v51 =	vmul.f32 v13, v18;
	[tilespmem:s29+$0xDD80] =	vst v15  }
0x13c: {  	v52 =	vmul.f32 v13, v19;
	[tilespmem:s29+$0xD980] =	vst v16  }
0x13d: {  	v53 =	vmul.f32 v13, v17;
	[tilespmem:s29+$0xD580] =	vst v51  }
0x13e: {  	v0 =	vmul.f32 v13, v0;
	[tilespmem:s29+$0xD180] =	vst v52  }
0x13f: {  	v1 =	vmul.f32 v13, v1;
	[tilespmem:s29+$0xCD80] =	vst v53  }
0x140: {  	v2 =	vmul.f32 v13, v2;
	[tilespmem:s29+$0xC980] =	vst v0  }
0x141: {  	v54 =	vmul.f32 v13, v3;
	[tilespmem:s29+$0xC580] =	vst v1  }
0x142: {  	v55 =	vmul.f32 v13, v4;
	[tilespmem:s29+$0xC180] =	vst v2  }
0x143: {  	v56 =	vmul.f32 v13, v5;
	[tilespmem:s29+$0xBD80] =	vst v54  }
0x144: {  	v57 =	vmul.f32 v13, v8;
	[tilespmem:s29+$0xB980] =	vst v55  }
0x145: {  	v58 =	vmul.f32 v13, v6;
	[tilespmem:s29+$0xB580] =	vst v56  }
0x146: {  	v59 =	vmul.f32 v13, v7;
	[tilespmem:s29+$0xB180] =	vst v57  }
0x147: {  	v60 =	vmul.f32 v13, v10;
	[tilespmem:s29+$0xAD80] =	vst v58  }
0x148: {  	p1 =	sne.s32 s24, $0x1F;
	v61 =	vmul.f32 v13, v9;
	[tilespmem:s29+$0xA980] =	vst v59  }
.Ltmp1:
0x149: {  	s0 =	sor.u32 s8, s26;
	v62 =	vmul.f32 v13, v12;
	[tilespmem:s29+$0xA580] =	vst v60;
	(pc) =	sbr.rel @p1 .LBB2_6-.Ltmp1, $4  }
0x14a: {  	s0 =	sor.u32 s28, s0;
	v63 =	vmul.f32 v13, v11;
	[tilespmem:s29+$0xA180] =	vst v61  }
0x14b: {  	s0 =	sshrl.u32 s0, $0x3;
	[tilespmem:s29+$0x9D80] =	vst v62  }
0x14c: {  	s0 =	sadd.s32 s2, s0;
	[tilespmem:s29+$0x9980] =	vst v63  }
0x14d: {  	[hbm4b:s0+s13] =	stream.strided.scatter [tilespmem:s18], [sflag:$0x3], $0x4C00, s14, s13, $0x38;
	[tilespmem:$0x13180] =	vst v63  }
.Ltmp2:
0x14e: {  	(pc) =	sbr.rel .LBB2_7-.Ltmp2, $4  }
0x14f: {  	_ = 	snop  }
0x150: {  	_ =	swait.ge [sflag:s19], $0x4C00  }
0x151: {  	[sflag:s19] =	ssyncset.done $0x0  }
0x152: {  	[sflag:s19] =	ssyncadd.s32 $0xFFFFB400  }
.LBB2_6:
0x153: {  	s0 =	sadd.s32 $0x40, s31  }
0x154: {  	s3 =	sand.u32 $0xC0, s0  }
0x155: {  	s0 =	sshrl.u32 s0, $0x8;
	s3 =	sor.u32 s6, s3  }
0x156: {  	s0 =	smul.u32 $0x4C0000, s0;
	s3 =	sshll.u32 s3, $0xA  }
0x157: {  	s3 =	sand.u32 $0x37000, s3  }
0x158: {  	s0 =	sor.u32 s0, s3  }
0x159: {  	s0 =	sor.u32 s8, s0  }
0x15a: {  	s0 =	sshrl.u32 s0, $0x3  }
.Ltmp3:
0x15b: {  	s0 =	sadd.s32 s1, s0;
	(pc) =	sbr.rel @p0 .LBB2_8-.Ltmp3, $4  }
0x15c: {  	[tilespmem:s15], [sflag:$0x1] =	stream.strided.gather [hbm4b:s0+s13], $0x4C00, s14, s13, $0x38;
	[tilespmem:$0x13180] =	vst v63  }
0x15d: {  	_ =	swait.ge [sflag:s19], $0x4C00  }
0x15e: {  	[sflag:s19] =	ssyncset.done $0x0  }
0x15f: {  	[sflag:s19] =	ssyncadd.s32 $0xFFFFB400  }
.LBB2_7:
0x160: {  	_ =	swait.ge [sflag:s20], $0x4C00  }
0x161: {  	[sflag:s20] =	ssyncset.done $0x0  }
0x162: {  	[sflag:s20] =	ssyncadd.s32 $0xFFFFB400  }
.LBB2_8:
0x163: {  	s28 =	simm.s32 $0x0  }
0x164: {  	v0 =	vld [tilespmem:s28+$0x7D80]  }
0x165: {  	v1 =	vld [tilespmem:s28+$0x7980]  }
0x166: {  	v2 =	vld [tilespmem:s28+$0x7580]  }
0x167: {  	v3 =	vld [tilespmem:s28+$0x7180]  }
0x168: {  	v4 =	vld [tilespmem:s28+$0x6D80]  }
0x169: {  	v5 =	vld [tilespmem:s28+$0x6980];
	v0 =	vmul.f32 $1.442695020e+00, v0  }
0x16a: {  	v6 =	vld [tilespmem:s28+$0x6580];
	v1 =	vmul.f32 $1.442695020e+00, v1  }
0x16b: {  	v2 =	vmul.f32 $1.442695020e+00, v2;
	(erf) = vpow2.f32 v0;
	v0 =	vld [tilespmem:s28+$0x6180]  }
0x16c: {  	v3 =	vmul.f32 $1.442695020e+00, v3;
	(erf) = vpow2.f32 v1;
	v1 =	vld [tilespmem:s28+$0x5D80]  }
0x16d: {  	v7 =	vld [tilespmem:s28+$0x5980];
	v4 =	vmul.f32 $1.442695020e+00, v4;
	(erf) = vpow2.f32 v2  }
0x16e: {  	v5 =	vmul.f32 $1.442695020e+00, v5;
	v2 =	vld [tilespmem:s28+$0x5580];
	(erf) = vpow2.f32 v3  }
0x16f: {  	v6 =	vmul.f32 $1.442695020e+00, v6;
	v3 =	vld [tilespmem:s28+$0x4D80];
	(erf) = vpow2.f32 v4  }
0x170: {  	v4 =	vld [tilespmem:s28+$0x5180];
	v0 =	vmul.f32 $1.442695020e+00, v0;
	(erf) = vpow2.f32 v5  }
0x171: {  	v1 =	vmul.f32 $1.442695020e+00, v1;
	(erf) = vpow2.f32 v6  }
0x172: {  	v5 =	vmul.f32 $1.442695020e+00, v7;
	(erf) = vpow2.f32 v0  }
0x173: {  	v0 =	vmul.f32 $1.442695020e+00, v2;
	(erf) = vpow2.f32 v1  }
0x174: {  	v1 =	vmul.f32 $1.442695020e+00, v3;
	v13 =	vpop (erf);
	(erf) = vpow2.f32 v5  }
0x175: {  	v2 =	vmul.f32 $1.442695020e+00, v4;
	v17 =	vpop (erf);
	(erf) = vpow2.f32 v0  }
0x176: {  	v19 =	vpop (erf);
	(erf) = vpow2.f32 v1  }
0x177: {  	v20 =	vpop (erf);
	(erf) = vpow2.f32 v2  }
0x178: {  	v21 =	vpop (erf)  }
0x179: {  	v24 =	vpop (erf)  }
0x17a: {  	v25 =	vpop (erf)  }
0x17b: {  	v26 =	vpop (erf)  }
0x17c: {  	v27 =	vpop (erf)  }
0x17d: {  	v28 =	vpop (erf)  }
0x17e: {  	v31 =	vpop (erf)  }
0x17f: {  	v32 =	vpop (erf)  }
0x180: {  	v33 =	vpop (erf)  }
0x181: {  	v0 =	vadd.f32 v33, v32;
	_ =	sdelay $0x1  }
0x182: {  	v0 =	vadd.f32 v31, v0;
	_ =	sdelay $0x1  }
0x183: {  	v0 =	vadd.f32 v28, v0;
	_ =	sdelay $0x1  }
0x184: {  	v0 =	vadd.f32 v27, v0  }
0x185: {  	v1 =	vld [tilespmem:s28+$0x8180]  }
0x186: {  	v0 =	vadd.f32 v26, v0  }
0x187: {  	v2 =	vld [tilespmem:s28+$0x8580]  }
0x188: {  	v0 =	vadd.f32 v25, v0  }
0x189: {  	v3 =	vld [tilespmem:s28+$0x8980]  }
0x18a: {  	v1 =	vmul.f32 $1.442695020e+00, v1;
	v0 =	vadd.f32 v24, v0  }
0x18b: {  	v4 =	vld [tilespmem:s28+$0x8D80]  }
0x18c: {  	v2 =	vmul.f32 $1.442695020e+00, v2;
	(erf) = vpow2.f32 v1;
	v0 =	vadd.f32 v21, v0  }
0x18d: {  	v1 =	vld [tilespmem:s28+$0x9180]  }
0x18e: {  	v3 =	vmul.f32 $1.442695020e+00, v3;
	(erf) = vpow2.f32 v2;
	v0 =	vadd.f32 v20, v0  }
0x18f: {  	v2 =	vld [tilespmem:s28+$0x9580]  }
0x190: {  	v4 =	vmul.f32 $1.442695020e+00, v4;
	(erf) = vpow2.f32 v3;
	v0 =	vadd.f32 v19, v0;
	_ =	sdelay $0x1  }
0x191: {  	(erf) = vpow2.f32 v4;
	v1 =	vmul.f32 $1.442695020e+00, v1;
	v0 =	vadd.f32 v17, v0;
	_ =	sdelay $0x1  }
0x192: {  	v2 =	vmul.f32 $1.442695020e+00, v2;
	(erf) = vpow2.f32 v1;
	v0 =	vadd.f32 v13, v0  }
0x193: {  	v22 =	vpop (erf)  }
0x194: {  	(erf) = vpow2.f32 v2;
	v0 =	vadd.f32 v22, v0  }
0x195: {  	v12 =	vpop (erf)  }
0x196: {  	s26 =	simm.s32 $0x10;
	v0 =	vadd.f32 v12, v0  }
0x197: {  	v1 =	vld [tilespmem:s26+$0x7D80];
	v23 =	vpop (erf)  }
0x198: {  	v2 =	vld [tilespmem:s26+$0x7980];
	v0 =	vadd.f32 v23, v0  }
0x199: {  	v11 =	vpop (erf)  }
0x19a: {  	v3 =	vld [tilespmem:s26+$0x7580];
	v0 =	vadd.f32 v11, v0  }
0x19b: {  	v4 =	vld [tilespmem:s26+$0x7180];
	v18 =	vpop (erf)  }
0x19c: {  	v5 =	vld [tilespmem:s26+$0x6D80];
	v1 =	vmul.f32 $1.442695020e+00, v1;
	v0 =	vadd.f32 v18, v0  }
0x19d: {  	v6 =	vld [tilespmem:s26+$0x6980];
	v2 =	vmul.f32 $1.442695020e+00, v2;
	v14 =	vpop (erf)  }
0x19e: {  	v7 =	vld [tilespmem:s26+$0x6580];
	(erf) = vpow2.f32 v1;
	v0 =	vadd.f32 v14, v0  }
0x19f: {  	v3 =	vmul.f32 $1.442695020e+00, v3;
	v1 =	vld [tilespmem:s26+$0x6180];
	(erf) = vpow2.f32 v2  }
0x1a0: {  	v4 =	vmul.f32 $1.442695020e+00, v4;
	v2 =	vld [tilespmem:s26+$0x5D80];
	(erf) = vrcp.f32 v0  }
0x1a1: {  	v5 =	vmul.f32 $1.442695020e+00, v5;
	v0 =	vld [tilespmem:s26+$0x5980];
	(erf) = vpow2.f32 v3  }
0x1a2: {  	v6 =	vmul.f32 $1.442695020e+00, v6;
	v3 =	vld [tilespmem:s26+$0x5580];
	(erf) = vpow2.f32 v4  }
0x1a3: {  	v7 =	vmul.f32 $1.442695020e+00, v7;
	v4 =	vld [tilespmem:s26+$0x4D80];
	(erf) = vpow2.f32 v5  }
0x1a4: {  	v1 =	vmul.f32 $1.442695020e+00, v1;
	v5 =	vld [tilespmem:s26+$0x5180];
	(erf) = vpow2.f32 v6  }
0x1a5: {  	v2 =	vmul.f32 $1.442695020e+00, v2;
	(erf) = vpow2.f32 v7  }
0x1a6: {  	v6 =	vmul.f32 $1.442695020e+00, v0;
	(erf) = vpow2.f32 v1  }
0x1a7: {  	v0 =	vpop (erf);
	v3 =	vmul.f32 $1.442695020e+00, v3;
	(erf) = vpow2.f32 v2  }
0x1a8: {  	v1 =	vpop (erf);
	v4 =	vmul.f32 $1.442695020e+00, v4;
	(erf) = vpow2.f32 v6  }
0x1a9: {  	v5 =	vmul.f32 $1.442695020e+00, v5;
	v9 =	vpop (erf);
	(erf) = vpow2.f32 v3  }
0x1aa: {  	v2 =	vpop (erf);
	(erf) = vpow2.f32 v4  }
0x1ab: {  	v3 =	vpop (erf);
	(erf) = vpow2.f32 v5  }
0x1ac: {  	v4 =	vpop (erf)  }
0x1ad: {  	v15 =	vld [tilespmem:s26+$0x8180];
	v5 =	vpop (erf)  }
0x1ae: {  	v8 =	vpop (erf)  }
0x1af: {  	v6 =	vpop (erf)  }
0x1b0: {  	v7 =	vpop (erf)  }
0x1b1: {  	v34 =	vmul.f32 $1.500000000e+01, v9;
	v10 =	vpop (erf)  }
0x1b2: {  	v15 =	vmul.f32 $1.442695020e+00, v15;
	v9 =	vpop (erf)  }
0x1b3: {  	v14 =	vmul.f32 v34, v14;
	v16 =	vmul.f32 v34, v11;
	v11 =	vpop (erf)  }
0x1b4: {  	v36 =	vmul.f32 v34, v18;
	v18 =	vmul.f32 v34, v12;
	v12 =	vpop (erf)  }
0x1b5: {  	v37 =	vmul.f32 v34, v23;
	v23 =	vmul.f32 v34, v13;
	v13 =	vadd.f32 v12, v11  }
0x1b6: {  	v22 =	vmul.f32 v34, v22;
	v30 =	vmul.f32 v34, v19  }
0x1b7: {  	v29 =	vmul.f32 v34, v17;
	v40 =	vmul.f32 v34, v21;
	v13 =	vadd.f32 v9, v13  }
0x1b8: {  	v35 =	vmul.f32 v34, v20;
	v21 =	vmul.f32 v34, v25  }
0x1b9: {  	v24 =	vmul.f32 v34, v24;
	v20 =	vmul.f32 v34, v26;
	v13 =	vadd.f32 v10, v13  }
0x1ba: {  	v17 =	vmul.f32 v34, v28;
	v19 =	vmul.f32 v34, v27  }
0x1bb: {  	v25 =	vmul.f32 v34, v33;
	v26 =	vmul.f32 v34, v31;
	v13 =	vadd.f32 v7, v13  }
0x1bc: {  	v27 =	vmul.f32 v34, v32;
	v34 =	vtrunc.f32 v36  }
0x1bd: {  	v25 =	vtrunc.f32 v25;
	v31 =	vtrunc.f32 v37;
	v13 =	vadd.f32 v6, v13  }
0x1be: {  	v28 =	vtrunc.f32 v17;
	v25 =	vcvt.f32.s32 v25  }
0x1bf: {  	v17 =	vtrunc.f32 v27;
	v27 =	vtrunc.f32 v26;
	v13 =	vadd.f32 v8, v13  }
0x1c0: {  	v39 =	vld [tilespmem:s26+$0x8980];
	v17 =	vcvt.f32.s32 v17;
	v63 =	vadd.s32 $0x10, v25;
	v25 =	vcvt.f32.s32 v27  }
0x1c1: {  	v33 =	vld [tilespmem:s26+$0x9180];
	v27 =	vtrunc.f32 v19;
	v38 =	vadd.f32 v5, v13;
	v13 =	vcvt.f32.s32 v28  }
0x1c2: {  	v26 =	vld [tilespmem:s26+$0x9580];
	v19 =	vadd.s32 $0x20, v25;
	v25 =	vcvt.f32.s32 v27;
	v27 =	vtrunc.f32 v20  }
0x1c3: {  	v37 =	vld [tilespmem:s26+$0x8D80];
	v27 =	vcvt.f32.s32 v27;
	v20 =	vadd.s32 $0x30, v13;
	v13 =	vtrunc.f32 v21  }
0x1c4: {  	v36 =	vld [tilespmem:s26+$0x8580];
	v28 =	vtrunc.f32 v24;
	v21 =	vadd.s32 $0x40, v25;
	v25 =	vcvt.f32.s32 v13  }
0x1c5: {  	s0 =	simm.s32 $0x80;
	v24 =	vadd.s32 $0x50, v27;
	v27 =	vcvt.f32.s32 v28;
	v28 =	vtrunc.f32 v40;
	v13 =	vld.idx.msk [tilespmem:v63+s4+$0x0], $0xffff  }
.LBB2_9:
0x1c6: {  	p0 =	sne.s32 s0, $0xFC0;
	v17 =	vld.idx.msk [tilespmem:v17+s4+$0x0], $0xffff;
	v25 =	vadd.s32 $0x60, v25;
	v28 =	vcvt.f32.s32 v28;
	v32 =	vtrunc.f32 v35  }
0x1c7: {  	v30 =	vtrunc.f32 v30;
	v19 =	vld.idx.msk [tilespmem:v19+s4+$0x0], $0xffff;
	v27 =	vadd.s32 $0x70, v27;
	v32 =	vcvt.f32.s32 v32  }
0x1c8: {  	v29 =	vtrunc.f32 v29;
	v30 =	vcvt.f32.s32 v30;
	v20 =	vld.idx.msk [tilespmem:v20+s4+$0x0], $0xffff;
	v28 =	vadd.s32 $0x80, v28  }
0x1c9: {  	v23 =	vtrunc.f32 v23;
	v29 =	vcvt.f32.s32 v29;
	v21 =	vld.idx.msk [tilespmem:v21+s4+$0x0], $0xffff;
	v32 =	vadd.s32 $0x90, v32  }
0x1ca: {  	v22 =	vtrunc.f32 v22;
	v23 =	vcvt.f32.s32 v23;
	v30 =	vadd.s32 $0xA0, v30;
	v24 =	vld.idx.msk [tilespmem:v24+s4+$0x0], $0xffff  }
0x1cb: {  	v18 =	vtrunc.f32 v18;
	v22 =	vcvt.f32.s32 v22;
	v29 =	vadd.s32 $0xB0, v29;
	v25 =	vld.idx.msk [tilespmem:v25+s4+$0x0], $0xffff  }
0x1cc: {  	v18 =	vcvt.f32.s32 v18;
	v23 =	vadd.s32 $0xC0, v23;
	v35 =	vadd.f32 v13, v17;
	v27 =	vld.idx.msk [tilespmem:v27+s4+$0x0], $0xffff  }
0x1cd: {  	v40 =	vcvt.f32.s32 v31;
	v16 =	vtrunc.f32 v16;
	v22 =	vadd.s32 $0xD0, v22;
	v28 =	vld.idx.msk [tilespmem:v28+s4+$0x0], $0xffff  }
0x1ce: {  	v16 =	vcvt.f32.s32 v16;
	v18 =	vadd.s32 $0xE0, v18;
	v35 =	vadd.f32 v19, v35;
	v31 =	vld.idx.msk [tilespmem:v32+s4+$0x0], $0xffff  }
0x1cf: {  	v14 =	vtrunc.f32 v14;
	v32 =	vld.idx.msk [tilespmem:v30+s4+$0x0], $0xffff;
	v30 =	vadd.s32 $0xF0, v40;
	v40 =	vcvt.f32.s32 v34  }
0x1d0: {  	v14 =	vcvt.f32.s32 v14;
	v16 =	vadd.s32 $0x100, v16;
	v35 =	vadd.f32 v20, v35;
	v34 =	vld.idx.msk [tilespmem:v29+s4+$0x0], $0xffff  }
0x1d1: {  	v29 =	vmul.f32 $1.442695020e+00, v36;
	(erf) = vpow2.f32 v15;
	v36 =	vld.idx.msk [tilespmem:v23+s4+$0x0], $0xffff;
	v15 =	vadd.s32 $0x110, v40  }
0x1d2: {  	v14 =	vadd.s32 $0x120, v14;
	v23 =	vadd.f32 v4, v38;
	v35 =	vadd.f32 v21, v35;
	v38 =	vld.idx.msk [tilespmem:v22+s4+$0x0], $0xffff  }
0x1d3: {  	v22 =	vmul.f32 $1.442695020e+00, v39;
	v39 =	vld.idx.msk [tilespmem:v18+s4+$0x0], $0xffff  }
0x1d4: {  	v18 =	vadd.f32 v3, v23;
	v23 =	vadd.f32 v24, v35;
	(erf) = vpow2.f32 v29;
	v40 =	vld.idx.msk [tilespmem:v30+s4+$0x0], $0xffff  }
0x1d5: {  	v29 =	vmul.f32 $1.442695020e+00, v37;
	v37 =	vld.idx.msk [tilespmem:v16+s4+$0x0], $0xffff  }
0x1d6: {  	v16 =	vadd.f32 v2, v18;
	v18 =	vadd.f32 v25, v23;
	(erf) = vpow2.f32 v22;
	v41 =	vld.idx.msk [tilespmem:v15+s4+$0x0], $0xffff  }
0x1d7: {  	v15 =	vmul.f32 $1.442695020e+00, v33;
	v33 =	vld.idx.msk [tilespmem:v14+s4+$0x0], $0xffff  }
0x1d8: {  	v14 =	vadd.f32 v1, v16;
	v16 =	vadd.f32 v27, v18;
	(erf) = vpow2.f32 v29  }
0x1d9: {  	v18 =	vmul.f32 $1.442695020e+00, v26  }
0x1da: {  	v14 =	vadd.f32 v0, v14;
	v22 =	vpop (erf);
	(erf) = vpow2.f32 v15;
	v15 =	vadd.f32 v28, v16;
	_ =	sdelay $0x1  }
0x1db: {  	v14 =	vadd.f32 v22, v14;
	(erf) = vpow2.f32 v18;
	v15 =	vadd.f32 v31, v15  }
0x1dc: {  	v18 =	vpop (erf)  }
0x1dd: {  	s3 =	sshra.s32 s0, $0x2;
	v14 =	vadd.f32 v18, v14;
	v15 =	vadd.f32 v32, v15  }
0x1de: {  	v16 =	vld [tilespmem:s3+$0x7D80];
	v23 =	vpop (erf)  }
0x1df: {  	v26 =	vld [tilespmem:s3+$0x7980];
	v14 =	vadd.f32 v23, v14;
	v15 =	vadd.f32 v34, v15  }
0x1e0: {  	v29 =	vpop (erf)  }
0x1e1: {  	v30 =	vld [tilespmem:s3+$0x7580];
	v14 =	vadd.f32 v29, v14;
	v15 =	vadd.f32 v36, v15  }
0x1e2: {  	v35 =	vld [tilespmem:s3+$0x7180];
	v42 =	vpop (erf)  }
0x1e3: {  	v43 =	vld [tilespmem:s3+$0x6D80];
	v16 =	vmul.f32 $1.442695020e+00, v16;
	v14 =	vadd.f32 v42, v14;
	v15 =	vadd.f32 v38, v15  }
0x1e4: {  	v44 =	vld [tilespmem:s3+$0x6980];
	v26 =	vmul.f32 $1.442695020e+00, v26;
	v45 =	vpop (erf)  }
0x1e5: {  	v46 =	vld [tilespmem:s3+$0x6580];
	(erf) = vpow2.f32 v16;
	v14 =	vadd.f32 v45, v14;
	v15 =	vadd.f32 v39, v15  }
0x1e6: {  	v16 =	vld [tilespmem:s3+$0x6180];
	v30 =	vmul.f32 $1.442695020e+00, v30;
	(erf) = vpow2.f32 v26  }
0x1e7: {  	v26 =	vld [tilespmem:s3+$0x5D80];
	v35 =	vmul.f32 $1.442695020e+00, v35;
	(erf) = vrcp.f32 v14;
	v14 =	vadd.f32 v40, v15  }
0x1e8: {  	v15 =	vld [tilespmem:s3+$0x5980];
	v43 =	vmul.f32 $1.442695020e+00, v43;
	(erf) = vpow2.f32 v30  }
0x1e9: {  	v30 =	vld [tilespmem:s3+$0x5580];
	v44 =	vmul.f32 $1.442695020e+00, v44;
	(erf) = vpow2.f32 v35;
	v14 =	vadd.f32 v37, v14  }
0x1ea: {  	v35 =	vld [tilespmem:s3+$0x4D80];
	v46 =	vmul.f32 $1.442695020e+00, v46;
	(erf) = vpow2.f32 v43  }
0x1eb: {  	v43 =	vld [tilespmem:s3+$0x5180];
	v16 =	vmul.f32 $1.442695020e+00, v16;
	(erf) = vpow2.f32 v44;
	v14 =	vadd.f32 v41, v14  }
0x1ec: {  	v47 =	vmul.f32 $1.442695020e+00, v26;
	(erf) = vpow2.f32 v46  }
0x1ed: {  	v46 =	vmul.f32 $1.442695020e+00, v15;
	v44 =	vld [tilespmem:s3+$0x8180];
	(erf) = vpow2.f32 v16;
	v14 =	vadd.f32 v33, v14  }
0x1ee: {  	v16 =	vmul.f32 $1.442695020e+00, v30;
	(erf) = vpow2.f32 v47;
	v26 =	vpop (erf)  }
0x1ef: {  	v30 =	vmul.f32 $1.442695020e+00, v35;
	(erf) = vpow2.f32 v46;
	v35 =	vpop (erf);
	v14 =	vmax.f32 v14, $1.000000020e-35  }
0x1f0: {  	v48 =	vmul.f32 $1.442695020e+00, v43;
	v15 =	vpop (erf);
	(erf) = vrcp.f32 v14  }
0x1f1: {  	(erf) = vpow2.f32 v16;
	v46 =	vpop (erf);
	v47 =	vmul.f32 $1.500000000e+01, v15  }
0x1f2: {  	v15 =	vmul.f32 $1.442695020e+00, v44;
	(erf) = vpow2.f32 v30;
	v44 =	vpop (erf)  }
0x1f3: {  	(erf) = vpow2.f32 v48;
	v43 =	vpop (erf);
	v14 =	vmul.f32 v47, v45  }
0x1f4: {  	v16 =	vmul.f32 v47, v29;
	v42 =	vmul.f32 v47, v42;
	v45 =	vpop (erf)  }
0x1f5: {  	v18 =	vmul.f32 v47, v18;
	v49 =	vmul.f32 v47, v23;
	v48 =	vpop (erf)  }
0x1f6: {  	v23 =	vmul.f32 v47, v0;
	v22 =	vmul.f32 v47, v22;
	v0 =	vmov v26;
	v50 =	vpop (erf)  }
0x1f7: {  	v30 =	vmul.f32 v47, v2;
	v29 =	vmul.f32 v47, v1;
	v1 =	vmov v35;
	v26 =	vpop (erf)  }
0x1f8: {  	v52 =	vmul.f32 v47, v4;
	v35 =	vmul.f32 v47, v3;
	v2 =	vmov v46;
	v51 =	vpop (erf)  }
0x1f9: {  	v46 =	vmul.f32 v47, v8;
	v53 =	vmul.f32 v47, v5;
	v3 =	vmov v44;
	v54 =	vpop (erf)  }
0x1fa: {  	v4 =	vmov v43;
	v44 =	vpop (erf);
	v41 =	vmul.f32 v54, v41;
	v55 =	vmul.f32 v54, v33  }
0x1fb: {  	v5 =	vmov v45;
	v40 =	vmul.f32 v54, v40;
	v37 =	vmul.f32 v54, v37;
	v33 =	vpop (erf)  }
0x1fc: {  	v8 =	vmov v48;
	v38 =	vmul.f32 v54, v38;
	v39 =	vmul.f32 v54, v39;
	v43 =	vpop (erf);
	[tilespmem:s28+$0x12D80] =	vst v55  }
0x1fd: {  	v34 =	vmul.f32 v54, v34;
	v36 =	vmul.f32 v54, v36;
	[tilespmem:s28+$0x12980] =	vst v41  }
0x1fe: {  	v31 =	vmul.f32 v54, v31;
	v32 =	vmul.f32 v54, v32;
	[tilespmem:s28+$0x12580] =	vst v37  }
0x1ff: {  	v27 =	vmul.f32 v54, v27;
	v28 =	vmul.f32 v54, v28;
	v37 =	vadd.f32 v43, v33;
	[tilespmem:s28+$0x12180] =	vst v40  }
0x200: {  	v24 =	vmul.f32 v54, v24;
	v25 =	vmul.f32 v54, v25;
	[tilespmem:s28+$0x11D80] =	vst v39  }
0x201: {  	v20 =	vmul.f32 v54, v20;
	v21 =	vmul.f32 v54, v21;
	v37 =	vadd.f32 v44, v37;
	[tilespmem:s28+$0x11980] =	vst v38  }
0x202: {  	v13 =	vmul.f32 v54, v13;
	v39 =	vmul.f32 v54, v19;
	[tilespmem:s28+$0x11580] =	vst v36  }
0x203: {  	v40 =	vmul.f32 v54, v17;
	v19 =	vadd.f32 v51, v37;
	v36 =	vmul.f32 v47, v6;
	[tilespmem:s28+$0x11180] =	vst v34  }
0x204: {  	v17 =	vmul.f32 v47, v10;
	v37 =	vmul.f32 v47, v7;
	v6 =	vmovc v50;
	v7 =	vmov v26;
	[tilespmem:s28+$0x10D80] =	vst v32  }
0x205: {  	v38 =	vmul.f32 v47, v12;
	v26 =	vmul.f32 v47, v9;
	v19 =	vadd.f32 v7, v19;
	[tilespmem:s28+$0x10980] =	vst v31  }
0x206: {  	v10 =	vmovc v51;
	v9 =	vmovc v44;
	v34 =	vtrunc.f32 v42;
	v32 =	vmul.f32 v47, v11;
	v11 =	vmov v33;
	[tilespmem:s28+$0x10580] =	vst v28  }
0x207: {  	v12 =	vmovc v43;
	v31 =	vtrunc.f32 v49;
	v19 =	vadd.f32 v6, v19;
	v28 =	vtrunc.f32 v38;
	[tilespmem:s28+$0x10180] =	vst v27  }
0x208: {  	v27 =	vcvt.f32.s32 v28;
	v28 =	vtrunc.f32 v17;
	[tilespmem:s28+$0xFD80] =	vst v25  }
0x209: {  	v17 =	vtrunc.f32 v32;
	v19 =	vadd.f32 v8, v19;
	v25 =	vtrunc.f32 v26;
	[tilespmem:s28+$0xF980] =	vst v24  }
0x20a: {  	v17 =	vcvt.f32.s32 v17;
	v24 =	vadd.s32 $0x10, v27;
	v25 =	vcvt.f32.s32 v25;
	v26 =	vld [tilespmem:s3+$0x9580];
	[tilespmem:s28+$0xF580] =	vst v21  }
.Ltmp4:
0x20b: {  	v27 =	vtrunc.f32 v37;
	v38 =	vadd.f32 v5, v19;
	v21 =	vcvt.f32.s32 v28;
	v33 =	vld [tilespmem:s3+$0x9180];
	[tilespmem:s28+$0xF180] =	vst v20;
	(pc) =	sbr.rel @p0 .LBB2_9-.Ltmp4, $4  }
0x20c: {  	v19 =	vadd.s32 $0x20, v25;
	v25 =	vcvt.f32.s32 v27;
	v27 =	vtrunc.f32 v36;
	v37 =	vld [tilespmem:s3+$0x8D80];
	[tilespmem:s28+$0xED80] =	vst v39  }
0x20d: {  	v28 =	vtrunc.f32 v46;
	v20 =	vadd.s32 $0x30, v21;
	v27 =	vcvt.f32.s32 v27;
	v39 =	vld [tilespmem:s3+$0x8980];
	[tilespmem:s28+$0xE980] =	vst v13  }
0x20e: {  	v21 =	vadd.s32 $0x40, v25;
	v25 =	vcvt.f32.s32 v28;
	v28 =	vtrunc.f32 v53;
	v36 =	vld [tilespmem:s3+$0x8580];
	[tilespmem:s28+$0xE580] =	vst v40;
	s28 =	smov.u32 s26;
	s26 =	smov.u32 s3  }
0x20f: {  	s0 =	sadd.s32 $0x40, s0;
	v13 =	vld.idx.msk [tilespmem:v24+s4+$0x0], $0xffff;
	v24 =	vadd.s32 $0x50, v27;
	v27 =	vcvt.f32.s32 v28;
	v28 =	vtrunc.f32 v52  }
0x210: {  	_ =	sdelay $0x3  }
0x211: {  	v17 =	vld.idx.msk [tilespmem:v17+s4+$0x0], $0xffff;
	_ =	sdelay $0x1  }
0x212: {  	v19 =	vld.idx.msk [tilespmem:v19+s4+$0x0], $0xffff;
	_ =	sdelay $0x1  }
0x213: {  	v20 =	vld.idx.msk [tilespmem:v20+s4+$0x0], $0xffff  }
0x214: {  	v25 =	vadd.s32 $0x60, v25;
	v32 =	vadd.f32 v13, v17  }
0x215: {  	v21 =	vld.idx.msk [tilespmem:v21+s4+$0x0], $0xffff  }
0x216: {  	v28 =	vcvt.f32.s32 v28;
	v27 =	vadd.s32 $0x70, v27;
	v32 =	vadd.f32 v19, v32  }
0x217: {  	v35 =	vtrunc.f32 v35;
	v24 =	vld.idx.msk [tilespmem:v24+s4+$0x0], $0xffff  }
0x218: {  	v35 =	vcvt.f32.s32 v35;
	v28 =	vadd.s32 $0x80, v28;
	v32 =	vadd.f32 v20, v32  }
0x219: {  	v30 =	vtrunc.f32 v30;
	v25 =	vld.idx.msk [tilespmem:v25+s4+$0x0], $0xffff  }
0x21a: {  	v30 =	vcvt.f32.s32 v30;
	v35 =	vadd.s32 $0x90, v35;
	v32 =	vadd.f32 v21, v32  }
0x21b: {  	v29 =	vtrunc.f32 v29;
	v23 =	vtrunc.f32 v23;
	v27 =	vld.idx.msk [tilespmem:v27+s4+$0x0], $0xffff  }
0x21c: {  	v29 =	vcvt.f32.s32 v29;
	v30 =	vadd.s32 $0xA0, v30;
	v32 =	vadd.f32 v24, v32  }
0x21d: {  	v22 =	vtrunc.f32 v22;
	v18 =	vtrunc.f32 v18;
	v28 =	vld.idx.msk [tilespmem:v28+s4+$0x0], $0xffff  }
0x21e: {  	v23 =	vcvt.f32.s32 v23;
	v29 =	vadd.s32 $0xB0, v29;
	v32 =	vadd.f32 v25, v32  }
0x21f: {  	v31 =	vcvt.f32.s32 v31;
	v16 =	vtrunc.f32 v16;
	v35 =	vld.idx.msk [tilespmem:v35+s4+$0x0], $0xffff  }
0x220: {  	v22 =	vcvt.f32.s32 v22;
	v23 =	vadd.s32 $0xC0, v23;
	v32 =	vadd.f32 v27, v32  }
0x221: {  	(erf) = vpow2.f32 v15;
	v43 =	vadd.f32 v4, v38;
	v18 =	vcvt.f32.s32 v18;
	v30 =	vld.idx.msk [tilespmem:v30+s4+$0x0], $0xffff  }
0x222: {  	v22 =	vadd.s32 $0xD0, v22;
	v36 =	vmul.f32 $1.442695020e+00, v36;
	v32 =	vadd.f32 v28, v32  }
0x223: {  	v34 =	vcvt.f32.s32 v34;
	v44 =	vmul.f32 $1.442695020e+00, v39;
	v15 =	vadd.f32 v3, v43;
	v29 =	vld.idx.msk [tilespmem:v29+s4+$0x0], $0xffff  }
0x224: {  	v18 =	vadd.s32 $0xE0, v18;
	(erf) = vpow2.f32 v36;
	v32 =	vadd.f32 v35, v32  }
0x225: {  	v16 =	vcvt.f32.s32 v16;
	v45 =	vmul.f32 $1.442695020e+00, v37;
	v31 =	vadd.s32 $0xF0, v31;
	v23 =	vld.idx.msk [tilespmem:v23+s4+$0x0], $0xffff  }
0x226: {  	v15 =	vadd.f32 v2, v15;
	(erf) = vpow2.f32 v44;
	v32 =	vadd.f32 v30, v32  }
0x227: {  	v14 =	vtrunc.f32 v14;
	v33 =	vmul.f32 $1.442695020e+00, v33;
	v16 =	vadd.s32 $0x100, v16;
	v22 =	vld.idx.msk [tilespmem:v22+s4+$0x0], $0xffff  }
0x228: {  	v15 =	vadd.f32 v1, v15;
	(erf) = vpow2.f32 v45;
	v32 =	vadd.f32 v29, v32  }
0x229: {  	v47 =	vmul.f32 $1.442695020e+00, v26;
	v14 =	vcvt.f32.s32 v14;
	v34 =	vadd.s32 $0x110, v34;
	v46 =	vld.idx.msk [tilespmem:v18+s4+$0x0], $0xffff  }
0x22a: {  	v15 =	vadd.f32 v0, v15;
	(erf) = vpow2.f32 v33;
	v48 =	vadd.f32 v23, v32  }
0x22b: {  	v14 =	vadd.s32 $0x120, v14;
	v31 =	vld.idx.msk [tilespmem:v31+s4+$0x0], $0xffff;
	v49 =	vpop (erf)  }
0x22c: {  	(erf) = vpow2.f32 v47;
	v15 =	vadd.f32 v49, v15;
	v50 =	vadd.f32 v22, v48  }
0x22d: {  	v51 =	vld.idx.msk [tilespmem:v16+s4+$0x0], $0xffff;
	v52 =	vpop (erf)  }
0x22e: {  	v15 =	vadd.f32 v52, v15;
	v53 =	vadd.f32 v46, v50  }
0x22f: {  	v34 =	vld.idx.msk [tilespmem:v34+s4+$0x0], $0xffff;
	v54 =	vpop (erf)  }
0x230: {  	v15 =	vadd.f32 v54, v15;
	v55 =	vadd.f32 v31, v53  }
0x231: {  	v56 =	vld.idx.msk [tilespmem:v14+s4+$0x0], $0xffff;
	v57 =	vpop (erf)  }
0x232: {  	v58 =	vadd.f32 v57, v15;
	v37 =	vadd.f32 v51, v55  }
0x233: {  	v59 =	vpop (erf)  }
0x234: {  	v60 =	vadd.f32 v59, v58;
	v37 =	vadd.f32 v34, v37  }
0x235: {  	v61 =	vpop (erf)  }
0x236: {  	v39 =	vadd.f32 v61, v60;
	v37 =	vadd.f32 v56, v37;
	_ =	sdelay $0x1  }
0x237: {  	(erf) = vrcp.f32 v39;
	v37 =	vmax.f32 v37, $1.000000020e-35  }
0x238: {  	(erf) = vrcp.f32 v37;
	_ =	sdelay $0x7  }
0x239: {  	v62 =	vpop (erf)  }
0x23a: {  	v63 =	vpop (erf)  }
0x23b: {  	v38 =	vmul.f32 v63, v56  }
0x23c: {  	v34 =	vmul.f32 v63, v34  }
0x23d: {  	v26 =	vmul.f32 v63, v51;
	[tilespmem:s28+$0x12D80] =	vst v38  }
0x23e: {  	v31 =	vmul.f32 v63, v31;
	[tilespmem:s28+$0x12980] =	vst v34  }
0x23f: {  	v36 =	vmul.f32 v63, v46;
	[tilespmem:s28+$0x12580] =	vst v26  }
0x240: {  	v37 =	vmul.f32 $1.500000000e+01, v62;
	v22 =	vmul.f32 v63, v22;
	[tilespmem:s28+$0x12180] =	vst v31  }
0x241: {  	v23 =	vmul.f32 v63, v23;
	[tilespmem:s28+$0x11D80] =	vst v36  }
0x242: {  	v12 =	vmul.f32 v37, v12;
	v29 =	vmul.f32 v63, v29;
	[tilespmem:s28+$0x11980] =	vst v22  }
0x243: {  	v11 =	vmul.f32 v37, v11;
	v40 =	vmul.f32 v63, v30;
	[tilespmem:s28+$0x11580] =	vst v23  }
0x244: {  	v9 =	vmul.f32 v37, v9;
	v41 =	vmul.f32 v63, v28;
	[tilespmem:s28+$0x11180] =	vst v29  }
0x245: {  	v10 =	vmul.f32 v37, v10;
	v27 =	vmul.f32 v63, v27;
	[tilespmem:s28+$0x10D80] =	vst v40  }
0x246: {  	v7 =	vmul.f32 v37, v7;
	v25 =	vmul.f32 v63, v25;
	[tilespmem:s28+$0x10580] =	vst v41  }
0x247: {  	v12 =	vtrunc.f32 v12;
	v24 =	vmul.f32 v63, v24;
	[tilespmem:s28+$0x10180] =	vst v27  }
0x248: {  	v11 =	vtrunc.f32 v11;
	v21 =	vmul.f32 v63, v21;
	[tilespmem:s28+$0xFD80] =	vst v25  }
0x249: {  	v12 =	vcvt.f32.s32 v12;
	v20 =	vmul.f32 v63, v20;
	[tilespmem:s28+$0xF980] =	vst v24  }
0x24a: {  	v9 =	vtrunc.f32 v9;
	v19 =	vmul.f32 v63, v19;
	[tilespmem:s28+$0xF580] =	vst v21  }
0x24b: {  	v11 =	vcvt.f32.s32 v11;
	v12 =	vadd.s32 $0x10, v12;
	v42 =	vmul.f32 v63, v13;
	[tilespmem:s28+$0xF180] =	vst v20  }
0x24c: {  	v9 =	vcvt.f32.s32 v9;
	v17 =	vmul.f32 v63, v17;
	[tilespmem:s28+$0xED80] =	vst v19  }
0x24d: {  	v10 =	vtrunc.f32 v10;
	v38 =	vmul.f32 v63, v35;
	[tilespmem:s28+$0xE980] =	vst v42  }
0x24e: {  	v10 =	vcvt.f32.s32 v10;
	v9 =	vadd.s32 $0x20, v9;
	[tilespmem:s28+$0xE580] =	vst v17  }
0x24f: {  	v6 =	vmul.f32 v37, v6;
	v7 =	vtrunc.f32 v7;
	[tilespmem:s28+$0x10980] =	vst v38  }
0x250: {  	v7 =	vcvt.f32.s32 v7;
	v10 =	vadd.s32 $0x30, v10;
	v12 =	vld.idx.msk [tilespmem:v12+s4+$0x0], $0xffff  }
0x251: {  	v8 =	vmul.f32 v37, v8;
	v6 =	vtrunc.f32 v6;
	v11 =	vld.idx.msk [tilespmem:v11+s4+$0x0], $0xffff  }
0x252: {  	v6 =	vcvt.f32.s32 v6;
	v7 =	vadd.s32 $0x40, v7  }
0x253: {  	v5 =	vmul.f32 v37, v5;
	v8 =	vtrunc.f32 v8;
	v9 =	vld.idx.msk [tilespmem:v9+s4+$0x0], $0xffff  }
0x254: {  	v8 =	vcvt.f32.s32 v8;
	v6 =	vadd.s32 $0x50, v6  }
0x255: {  	v43 =	vmul.f32 v37, v4;
	v5 =	vtrunc.f32 v5;
	v10 =	vld.idx.msk [tilespmem:v10+s4+$0x0], $0xffff  }
0x256: {  	v5 =	vcvt.f32.s32 v5;
	v8 =	vadd.s32 $0x60, v8;
	v44 =	vadd.f32 v12, v11  }
0x257: {  	v45 =	vmul.f32 v37, v3;
	v4 =	vtrunc.f32 v43;
	v7 =	vld.idx.msk [tilespmem:v7+s4+$0x0], $0xffff  }
0x258: {  	v4 =	vcvt.f32.s32 v4;
	v5 =	vadd.s32 $0x70, v5;
	v13 =	vadd.f32 v9, v44  }
0x259: {  	v3 =	vtrunc.f32 v45;
	v46 =	vmul.f32 v37, v2;
	v6 =	vld.idx.msk [tilespmem:v6+s4+$0x0], $0xffff  }
0x25a: {  	v3 =	vcvt.f32.s32 v3;
	v4 =	vadd.s32 $0x80, v4;
	v13 =	vadd.f32 v10, v13  }
0x25b: {  	v47 =	vmul.f32 v37, v1;
	v2 =	vtrunc.f32 v46;
	v8 =	vld.idx.msk [tilespmem:v8+s4+$0x0], $0xffff  }
0x25c: {  	v3 =	vadd.s32 $0x90, v3;
	v2 =	vcvt.f32.s32 v2;
	v13 =	vadd.f32 v7, v13  }
0x25d: {  	v48 =	vmul.f32 v37, v0;
	v1 =	vtrunc.f32 v47;
	v5 =	vld.idx.msk [tilespmem:v5+s4+$0x0], $0xffff  }
0x25e: {  	v1 =	vcvt.f32.s32 v1;
	v2 =	vadd.s32 $0xA0, v2;
	v13 =	vadd.f32 v6, v13  }
0x25f: {  	v49 =	vmul.f32 v37, v49;
	v0 =	vtrunc.f32 v48;
	v4 =	vld.idx.msk [tilespmem:v4+s4+$0x0], $0xffff  }
0x260: {  	v0 =	vcvt.f32.s32 v0;
	v1 =	vadd.s32 $0xB0, v1;
	v13 =	vadd.f32 v8, v13  }
0x261: {  	v50 =	vmul.f32 v37, v52;
	v17 =	vtrunc.f32 v49;
	v3 =	vld.idx.msk [tilespmem:v3+s4+$0x0], $0xffff  }
0x262: {  	v0 =	vadd.s32 $0xC0, v0;
	v17 =	vcvt.f32.s32 v17;
	v13 =	vadd.f32 v5, v13  }
0x263: {  	v18 =	vmul.f32 v37, v54;
	v19 =	vtrunc.f32 v50;
	v2 =	vld.idx.msk [tilespmem:v2+s4+$0x0], $0xffff  }
0x264: {  	v19 =	vcvt.f32.s32 v19;
	v17 =	vadd.s32 $0xD0, v17;
	v13 =	vadd.f32 v4, v13  }
0x265: {  	v16 =	vmul.f32 v37, v57;
	v18 =	vtrunc.f32 v18;
	v1 =	vld.idx.msk [tilespmem:v1+s4+$0x0], $0xffff  }
0x266: {  	v18 =	vcvt.f32.s32 v18;
	v19 =	vadd.s32 $0xE0, v19;
	v13 =	vadd.f32 v3, v13  }
0x267: {  	v15 =	vmul.f32 v37, v59;
	v16 =	vtrunc.f32 v16;
	v0 =	vld.idx.msk [tilespmem:v0+s4+$0x0], $0xffff  }
0x268: {  	v16 =	vcvt.f32.s32 v16;
	v18 =	vadd.s32 $0xF0, v18;
	v13 =	vadd.f32 v2, v13  }
0x269: {  	v14 =	vmul.f32 v37, v61;
	v15 =	vtrunc.f32 v15;
	v17 =	vld.idx.msk [tilespmem:v17+s4+$0x0], $0xffff  }
0x26a: {  	v15 =	vcvt.f32.s32 v15;
	v16 =	vadd.s32 $0x100, v16;
	v13 =	vadd.f32 v1, v13  }
0x26b: {  	v14 =	vtrunc.f32 v14;
	v19 =	vld.idx.msk [tilespmem:v19+s4+$0x0], $0xffff  }
0x26c: {  	v14 =	vcvt.f32.s32 v14;
	v15 =	vadd.s32 $0x110, v15;
	v13 =	vadd.f32 v0, v13  }
0x26d: {  	v18 =	vld.idx.msk [tilespmem:v18+s4+$0x0], $0xffff  }
0x26e: {  	v14 =	vadd.s32 $0x120, v14;
	v13 =	vadd.f32 v17, v13  }
0x26f: {  	v16 =	vld.idx.msk [tilespmem:v16+s4+$0x0], $0xffff  }
0x270: {  	v13 =	vadd.f32 v19, v13  }
0x271: {  	v15 =	vld.idx.msk [tilespmem:v15+s4+$0x0], $0xffff  }
0x272: {  	v13 =	vadd.f32 v18, v13  }
0x273: {  	v14 =	vld.idx.msk [tilespmem:v14+s4+$0x0], $0xffff  }
0x274: {  	v13 =	vadd.f32 v16, v13;
	_ =	sdelay $0x1  }
0x275: {  	v13 =	vadd.f32 v15, v13;
	_ =	sdelay $0x1  }
0x276: {  	v13 =	vadd.f32 v14, v13;
	_ =	sdelay $0x1  }
0x277: {  	v13 =	vmax.f32 v13, $1.000000020e-35  }
0x278: {  	(erf) = vrcp.f32 v13;
	_ =	sdelay $0x8  }
0x279: {  	v13 =	vpop (erf)  }
0x27a: {  	v14 =	vmul.f32 v13, v14  }
0x27b: {  	v15 =	vmul.f32 v13, v15  }
0x27c: {  	v16 =	vmul.f32 v13, v16;
	[tilespmem:s26+$0x12D80] =	vst v14  }
0x27d: {  	v51 =	vmul.f32 v13, v18;
	[tilespmem:s26+$0x12980] =	vst v15  }
0x27e: {  	v52 =	vmul.f32 v13, v19;
	[tilespmem:s26+$0x12580] =	vst v16  }
0x27f: {  	v53 =	vmul.f32 v13, v17;
	[tilespmem:s26+$0x12180] =	vst v51  }
0x280: {  	v0 =	vmul.f32 v13, v0;
	[tilespmem:s26+$0x11D80] =	vst v52  }
0x281: {  	v1 =	vmul.f32 v13, v1;
	[tilespmem:s26+$0x11980] =	vst v53  }
0x282: {  	v2 =	vmul.f32 v13, v2;
	[tilespmem:s26+$0x11580] =	vst v0  }
0x283: {  	v54 =	vmul.f32 v13, v3;
	[tilespmem:s26+$0x11180] =	vst v1  }
0x284: {  	v55 =	vmul.f32 v13, v4;
	[tilespmem:s26+$0x10D80] =	vst v2  }
0x285: {  	v56 =	vmul.f32 v13, v5;
	[tilespmem:s26+$0x10980] =	vst v54  }
0x286: {  	v57 =	vmul.f32 v13, v8;
	[tilespmem:s26+$0x10580] =	vst v55  }
0x287: {  	v58 =	vmul.f32 v13, v6;
	[tilespmem:s26+$0x10180] =	vst v56  }
0x288: {  	v59 =	vmul.f32 v13, v7;
	[tilespmem:s26+$0xFD80] =	vst v57  }
0x289: {  	s24 =	sadd.s32 $0x1, s24;
	v60 =	vmul.f32 v13, v10;
	[tilespmem:s26+$0xF980] =	vst v58  }
0x28a: {  	p0 =	sne.s32 s24, $0x20;
	v61 =	vmul.f32 v13, v9;
	[tilespmem:s26+$0xF580] =	vst v59  }
.Ltmp5:
0x28b: {  	v62 =	vmul.f32 v13, v12;
	[tilespmem:s26+$0xF180] =	vst v60;
	(pc) =	sbr.rel @p0 .LBB2_2-.Ltmp5, $4  }
0x28c: {  	v63 =	vmul.f32 v13, v11;
	[tilespmem:s26+$0xED80] =	vst v61  }
0x28d: {  	[tilespmem:s26+$0xE980] =	vst v62  }
0x28e: {  	s0 =	sadd.s32 s2, s25;
	[tilespmem:s26+$0xE580] =	vst v63  }
0x28f: {  	[hbm4b:s0+s13] =	stream.strided.scatter [tilespmem:s21], [sflag:$0x4], $0x4C00, s14, s13, $0x38;
	[tilespmem:$0x13180] =	vst v63  }
0x290: {  	s23 =	sadd.s32 $0x1, s23  }
0x291: {  	_ =	swait.ge [sflag:s22], $0x4C00;
	p0 =	sne.s32 s23, s11  }
.Ltmp6:
0x292: {  	[sflag:s22] =	ssyncset.done $0x0;
	(pc) =	sbr.rel @p0 .LBB2_1-.Ltmp6, $4  }
0x293: {  	[sflag:s22] =	ssyncadd.s32 $0xFFFFB400  }
0x294: {  	_ =	swait.ge [sflag:s20], $0x4C00  }
0x295: {  	[sflag:s20] =	ssyncset.done $0x0  }
0x296: {  	[sflag:s20] =	ssyncadd.s32 $0xFFFFB400  }
0x297: {  	_ =	sfence.sel $0x180000  }
0x298: {  	[bflag:$0x0] =	sbarrier.arrive $0xFFFF  }
0x299: {  	_ =	strace $0x90000047  }
0x29a: {  	s0 =	stileid.u32;
	[bflag:$0x2] =	sbarrier.arrive $0xFFFF  }
0x29b: {  	p0 =	sne.s32 s0, $0x0;
	s0 =	rddreg [dreg:$0x3]  }
0x29c: {  	s0 =	sadd.s32 @!p0 $0x100000, s0  }
0x29d: {  	[sflag:s0] =	ssyncadd.tile.s32 @!p0 $0x1;
	_ =	shalt  }
.Lfunc_end2:
_tile_overlayer_lowered:
.L_overlay_start_2:
0x29e: {  	(tag) =	ssettag $0x2  }
0x29f: {  	s0 =	rddreg [dreg:$0x0];
	s2 =	stileid.u32  }
0x2a0: {  	s1 =	rddreg [dreg:$0x1];
	p0 =	sne.s32 s2, $0x0  }
0x2a1: {  	s3 =	rddreg [dreg:$0x2];
	[bflag:$0x3] =	sbarrier.arrive $0xFFFF;
	s2 =	simm.s32 @!p0 $0x1C05  }
0x2a2: {  	[timem:s3], [sflag:s2] =	dma.local @!p0 [hbm:s0], s1  }
0x2a3: {  	s0 =	simm.s32 @!p0 $0x5  }
0x2a4: {  	_ =	swait.ge @!p0 [sflag:s0], s1  }
0x2a5: {  	s1 =	ssub.s32 @!p0 $0x0, s1;
	[sflag:s0] =	ssyncset.done @!p0 $0x0  }
0x2a6: {  	[sflag:s0] =	ssyncadd.s32 @!p0 s1  }
0x2a7: {  	[bflag:$0x3] =	sbarrier.arrive $0xFFFF  }
0x2a8: {  	_ =	shalt  }

</sc_bundles>
